<compile_context>
chip_gen: v7x
topology: tpu7x:2x2x1
jax: 0.10.2.dev20260603
libtpu: 0.0.44.dev20260713+nightly
codegen_flags: <defaults>
</compile_context>

<pallas_src>
import jax
import jax.numpy as jnp
from jax import lax
from jax.experimental import pallas as pl
from jax.experimental.pallas import tpu as pltpu
from jax.experimental.pallas import tpu_sc as plsc

N = 10000
D = 128
E = 160000
NC = 2
NS = 16
EPW = E // NS
BLK = 125
NBLK = EPW // BLK
CH = 40
NCH = NBLK // CH
NPAD = 10240
RPS = NPAD // NS
ZCH = 64
NZ = RPS // ZCH
DEGW = 128

_mesh = plsc.VectorSubcoreMesh(core_axis_name="c", subcore_axis_name="s")


def _agg_body(x_hbm, srcm_hbm, dstm_hbm,
              agg_hbm, sidx, didx, rows0, rows1, gsem0, gsem1, acc_sh):
    cid = lax.axis_index("c")
    sid = lax.axis_index("s")

    z16 = jnp.zeros((16,), jnp.float32)

    @pl.loop(0, ZCH)
    def _(i):
        @pl.loop(0, D, step=16)
        def _(j):
            rows0[i, pl.ds(j, 16)] = z16

    r0 = sid * RPS

    @pl.loop(0, NZ)
    def _(j):
        pltpu.async_copy(rows0.at[pl.ds(0, ZCH)],
                         acc_sh.at[pl.ds(r0 + j * ZCH, ZCH)], gsem0)

    @pl.loop(0, NZ)
    def _(j):
        pltpu.make_async_copy(rows0.at[pl.ds(0, ZCH)],
                              acc_sh.at[pl.ds(r0, ZCH)], gsem0).wait()

    plsc.subcore_barrier()

    def start(b, buf, gsem):
        pltpu.async_copy(x_hbm.at[sidx.at[b]], buf, gsem)

    def gwait(buf, gsem):
        pltpu.make_async_copy(x_hbm.at[sidx.at[0]], buf, gsem).wait()

    @pl.loop(0, NCH)
    def _(c):
        pltpu.sync_copy(srcm_hbm.at[cid, sid, pl.ds(c * CH, CH)], sidx)
        pltpu.sync_copy(dstm_hbm.at[cid, sid, pl.ds(c * CH, CH)], didx)
        start(0, rows0, gsem0)
        start(1, rows1, gsem1)

        @pl.loop(0, CH - 2, step=2)
        def _(b):
            gwait(rows0, gsem0)
            pltpu.sync_copy(rows0, acc_sh.at[didx.at[b]], add=True)
            start(b + 2, rows0, gsem0)
            gwait(rows1, gsem1)
            pltpu.sync_copy(rows1, acc_sh.at[didx.at[b + 1]], add=True)
            start(b + 3, rows1, gsem1)

        gwait(rows0, gsem0)
        pltpu.sync_copy(rows0, acc_sh.at[didx.at[CH - 2]], add=True)
        gwait(rows1, gsem1)
        pltpu.sync_copy(rows1, acc_sh.at[didx.at[CH - 1]], add=True)

    plsc.subcore_barrier()

    @pl.loop(0, NZ)
    def _(j):
        rr = r0 + j * ZCH
        pltpu.async_copy(acc_sh.at[pl.ds(rr, ZCH)],
                         agg_hbm.at[cid, pl.ds(rr, ZCH)], gsem0)

    @pl.loop(0, NZ)
    def _(j):
        pltpu.make_async_copy(acc_sh.at[pl.ds(r0, ZCH)],
                              agg_hbm.at[cid, pl.ds(r0, ZCH)], gsem0).wait()


_agg = pl.kernel(
    _agg_body,
    out_type=jax.ShapeDtypeStruct((NC, NPAD, D), jnp.float32),
    mesh=_mesh,
    scratch_types=[
        pltpu.VMEM((CH, BLK), jnp.int32),
        pltpu.VMEM((CH, BLK), jnp.int32),
        pltpu.VMEM((BLK, D), jnp.float32),
        pltpu.VMEM((BLK, D), jnp.float32),
        pltpu.SemaphoreType.DMA,
        pltpu.SemaphoreType.DMA,
        pltpu.VMEM_SHARED((NPAD, D), jnp.float32),
    ],
)


def _deg_body(dstm_hbm, deg_hbm, didx, ones, dsem, deg_sh):
    cid = lax.axis_index("c")
    sid = lax.axis_index("s")

    z16 = jnp.zeros((16,), jnp.float32)
    o16 = jnp.full((16,), 1.0, jnp.float32)

    @pl.loop(0, ZCH)
    def _(i):
        @pl.loop(0, DEGW, step=16)
        def _(j):
            ones[i, pl.ds(j, 16)] = z16

    r0 = sid * RPS

    @pl.loop(0, NZ)
    def _(j):
        pltpu.async_copy(ones.at[pl.ds(0, ZCH)],
                         deg_sh.at[pl.ds(r0 + j * ZCH, ZCH)], dsem)

    @pl.loop(0, NZ)
    def _(j):
        pltpu.make_async_copy(ones.at[pl.ds(0, ZCH)],
                              deg_sh.at[pl.ds(r0, ZCH)], dsem).wait()

    plsc.subcore_barrier()

    @pl.loop(0, BLK)
    def _(i):
        @pl.loop(0, DEGW, step=16)
        def _(j):
            ones[i, pl.ds(j, 16)] = o16

    pltpu.sync_copy(dstm_hbm.at[cid, sid], didx)

    @pl.loop(0, NBLK)
    def _(b):
        pltpu.async_copy(ones, deg_sh.at[didx.at[b]], dsem, add=True)

    @pl.loop(0, NBLK)
    def _(b):
        pltpu.make_async_copy(ones, deg_sh.at[didx.at[0]], dsem).wait()

    plsc.subcore_barrier()

    @pl.loop(0, NZ)
    def _(j):
        rr = r0 + j * ZCH
        pltpu.async_copy(deg_sh.at[pl.ds(rr, ZCH)],
                         deg_hbm.at[cid, pl.ds(rr, ZCH)], dsem)

    @pl.loop(0, NZ)
    def _(j):
        pltpu.make_async_copy(deg_sh.at[pl.ds(r0, ZCH)],
                              deg_hbm.at[cid, pl.ds(r0, ZCH)], dsem).wait()


_deg = pl.kernel(
    _deg_body,
    out_type=jax.ShapeDtypeStruct((NC, NPAD, DEGW), jnp.float32),
    mesh=_mesh,
    scratch_types=[
        pltpu.VMEM((NBLK, BLK), jnp.int32),
        pltpu.VMEM((BLK, DEGW), jnp.float32),
        pltpu.SemaphoreType.DMA,
        pltpu.VMEM_SHARED((NPAD, DEGW), jnp.float32),
    ],
)

BN = 1000


def _make_dense(relu: bool):
    def body(x_r, agg_r, deg_r, ws0_r, ws1_r, wn0_r, wn1_r, b0_r, b1_r, o_r):
        ws = ws0_r[...] + ws1_r[...]
        b = b0_r[...] + b1_r[...]
        inv0 = 1.0 / jnp.maximum(deg_r[0, :, 0:1], 1.0)
        inv1 = 1.0 / jnp.maximum(deg_r[1, :, 0:1], 1.0)
        h = (jnp.dot(x_r[...], ws, preferred_element_type=jnp.float32)
             + jnp.dot(agg_r[0] * inv0, wn0_r[...],
                       preferred_element_type=jnp.float32)
             + jnp.dot(agg_r[1] * inv1, wn1_r[...],
                       preferred_element_type=jnp.float32)
             + b)
        o_r[...] = jnp.maximum(h, 0.0) if relu else h

    full = lambda i: (0, 0)
    return pl.pallas_call(
        body,
        grid=(N // BN,),
        in_specs=[
            pl.BlockSpec((BN, D), lambda i: (i, 0)),
            pl.BlockSpec((NC, BN, D), lambda i: (0, i, 0)),
            pl.BlockSpec((NC, BN, DEGW), lambda i: (0, i, 0)),
            pl.BlockSpec((D, D), full),
            pl.BlockSpec((D, D), full),
            pl.BlockSpec((D, D), full),
            pl.BlockSpec((D, D), full),
            pl.BlockSpec((1, D), full),
            pl.BlockSpec((1, D), full),
        ],
        out_specs=pl.BlockSpec((BN, D), lambda i: (i, 0)),
        out_shape=jax.ShapeDtypeStruct((N, D), jnp.float32),
    )


_dense_relu = _make_dense(True)
_dense_lin = _make_dense(False)


def kernel(x, edge_index_r0, edge_index_r1,
           Ws0_r0, Wn0_r0, b0_r0, Ws0_r1, Wn0_r1, b0_r1,
           Ws1_r0, Wn1_r0, b1_r0, Ws1_r1, Wn1_r1, b1_r1):
    src = jnp.stack([edge_index_r0[0], edge_index_r1[0]]).astype(jnp.int32)
    dst = jnp.stack([edge_index_r0[1], edge_index_r1[1]]).astype(jnp.int32)
    srcm = src.reshape(NC, NS, NBLK, BLK)
    dstm = dst.reshape(NC, NS, NBLK, BLK)

    deg = _deg(dstm)
    agg0 = _agg(x, srcm, dstm)
    h = _dense_relu(x, agg0, deg, Ws0_r0, Ws0_r1, Wn0_r0, Wn0_r1,
                    b0_r0.reshape(1, D), b0_r1.reshape(1, D))
    agg1 = _agg(h, srcm, dstm)
    out = _dense_lin(h, agg1, deg, Ws1_r0, Ws1_r1, Wn1_r0, Wn1_r1,
                     b1_r0.reshape(1, D), b1_r1.reshape(1, D))
    return out

# --- scband reference (transcript-rebuilt; emitter-appended) ---
"""Pipeline reference for scband-graph-sage-24257975287898 (READ-ONLY COPY).

The authoritative reference and input builder live on the scoring server;
editing this copy changes nothing except your own understanding.
"""

import jax, jax.numpy as jnp
import numpy as np

N = 10000
D = 128
H = 128
O = 128
E = 160000


def _sage_conv(x, src, dst, W_self, W_neigh, b, n_nodes):
    # DGL-style SAGEConv with 'mean' aggregator:
    # h_neigh = mean_{u in N(v)} x_u ; out = x_v @ W_self + h_neigh @ W_neigh + b
    m = x[src]  # gather src features over edges
    agg = jax.ops.segment_sum(m, dst, num_segments=n_nodes)
    deg = jax.ops.segment_sum(jnp.ones((dst.shape[0],), x.dtype), dst, num_segments=n_nodes)
    h_neigh = agg / jnp.clip(deg, 1.0)[:, None]
    return x @ W_self + h_neigh @ W_neigh + b


def setup_inputs(seed: int = 0) -> dict:
    key = jax.random.key(seed)
    ks = jax.random.split(key, 16)
    inp = {}
    inp["x"] = jax.random.normal(ks[0], (N, D), dtype=jnp.float32)
    inp["edge_index_r0"] = jax.random.randint(ks[1], (2, E), 0, N)
    inp["edge_index_r1"] = jax.random.randint(ks[2], (2, E), 0, N)
    s_in = 1.0 / np.sqrt(D)
    s_h = 1.0 / np.sqrt(H)
    # layer 0 (in_feats -> hidden), per relation
    inp["Ws0_r0"] = jax.random.normal(ks[3], (D, H), jnp.float32) * s_in
    inp["Wn0_r0"] = jax.random.normal(ks[4], (D, H), jnp.float32) * s_in
    inp["b0_r0"] = jnp.zeros((H,), jnp.float32)
    inp["Ws0_r1"] = jax.random.normal(ks[5], (D, H), jnp.float32) * s_in
    inp["Wn0_r1"] = jax.random.normal(ks[6], (D, H), jnp.float32) * s_in
    inp["b0_r1"] = jnp.zeros((H,), jnp.float32)
    # layer 1 (hidden -> out_feats), per relation
    inp["Ws1_r0"] = jax.random.normal(ks[7], (H, O), jnp.float32) * s_h
    inp["Wn1_r0"] = jax.random.normal(ks[8], (H, O), jnp.float32) * s_h
    inp["b1_r0"] = jnp.zeros((O,), jnp.float32)
    inp["Ws1_r1"] = jax.random.normal(ks[9], (H, O), jnp.float32) * s_h
    inp["Wn1_r1"] = jax.random.normal(ks[10], (H, O), jnp.float32) * s_h
    inp["b1_r1"] = jnp.zeros((O,), jnp.float32)
    return inp


def reference(x, edge_index_r0, edge_index_r1,
              Ws0_r0, Wn0_r0, b0_r0, Ws0_r1, Wn0_r1, b0_r1,
              Ws1_r0, Wn1_r0, b1_r0, Ws1_r1, Wn1_r1, b1_r1):
    s0, d0 = edge_index_r0[0], edge_index_r0[1]
    s1, d1 = edge_index_r1[0], edge_index_r1[1]
    # Layer 0: HeteroGraphConv sums per-relation SAGEConv outputs (single node type)
    h = (_sage_conv(x, s0, d0, Ws0_r0, Wn0_r0, b0_r0, N)
         + _sage_conv(x, s1, d1, Ws0_r1, Wn0_r1, b0_r1, N))
    h = jax.nn.relu(h)  # activation on all but last layer
    # Layer 1 (last): no activation
    out = (_sage_conv(h, s0, d0, Ws1_r0, Wn1_r0, b1_r0, N)
           + _sage_conv(h, s1, d1, Ws1_r1, Wn1_r1, b1_r1, N))
    return out

if __name__ == "__main__":
    import jax
    _d = setup_inputs()
    print(jax.jit(kernel)(*tuple(_d.values())))

</pallas_src>

<mosaic_0001>
#map = affine_map<(d0, d1) -> (0, 0, 0, 0)>
#map1 = affine_map<(d0, d1) -> (0, 0, 0)>
module attributes {stable_mosaic.version = 14 : i64} {
  func.func @_deg_body(%arg0: i32, %arg1: i32, %arg2: memref<2x16x80x125xi32, #tpu.memory_space<hbm>>, %arg3: memref<2x10240x128xf32, #tpu.memory_space<hbm>>, %arg4: memref<80x125xi32, #tpu.memory_space<vmem>>, %arg5: memref<125x128xf32, #tpu.memory_space<vmem>>, %arg6: memref<!tpu.dma_semaphore, #tpu.memory_space<semaphore_mem>>, %arg7: memref<10240x128xf32, #tpu.memory_space<vmem_shared>>) attributes {dimension_semantics = [#tpu.dimension_semantics<core_parallel>, #tpu.dimension_semantics<subcore_parallel>], iteration_bounds = array<i64: 2, 16>, scalar_prefetch = 0 : i64, scratch_operands = 4 : i64, tpu.core_type = #tpu.core_type<sc_vector_subcore>, window_params = [{transform_indices = #map}, {transform_indices = #map1}]} {
    %broadcast_in_dim3A = arith.constant 0.000000e+00 : f32
    %broadcast_in_dim3A_0 = vector.broadcast %broadcast_in_dim3A : f32 to vector<16xf32>
    %broadcast_in_dim3A_1 = arith.constant 1.000000e+00 : f32
    %broadcast_in_dim3A_2 = vector.broadcast %broadcast_in_dim3A_1 : f32 to vector<16xf32>
    %scan3A = arith.constant 0 : i32
    %scan3A_3 = arith.constant 64 : i32
    %scan3A_4 = arith.addi %scan3A, %scan3A_3 : i32
    %scan3A_5 = arith.constant 1 : i32
    scf.for %scan3A_44 = %scan3A to %scan3A_4 step %scan3A_5  : i32 {
      %mul3A_45 = arith.constant 1 : i32
      %mul3A_46 = arith.muli %scan3A_44, %mul3A_45 : i32
      %add3A = arith.constant 0 : i32
      %add3A_47 = arith.addi %add3A, %mul3A_46 : i32
      %scan3A_48 = arith.constant 0 : i32
      %scan3A_49 = arith.constant 8 : i32
      %scan3A_50 = arith.addi %scan3A_48, %scan3A_49 : i32
      %scan3A_51 = arith.constant 1 : i32
      scf.for %scan3A_53 = %scan3A_48 to %scan3A_50 step %scan3A_51  : i32 {
        %mul3A_54 = arith.constant 16 : i32
        %mul3A_55 = arith.muli %scan3A_53, %mul3A_54 : i32
        %add3A_56 = arith.constant 0 : i32
        %add3A_57 = arith.addi %add3A_56, %mul3A_55 : i32
        %swap3A = arith.index_cast %add3A_47 : i32 to index
        %swap3A_58 = arith.index_cast %add3A_57 : i32 to index
        %swap3A_59 = tpu.vector_load %arg5[%swap3A, %swap3A_58] {strides = array<i32>} : memref<125x128xf32, #tpu.memory_space<vmem>>, vector<1x16xf32>,
        %swap3A_60 = vector.shape_cast %swap3A_59 : vector<1x16xf32> to vector<16xf32>
        %swap3A_61 = vector.shape_cast %broadcast_in_dim3A_0 : vector<16xf32> to vector<1x16xf32>
        tpu.vector_store %arg5[%swap3A, %swap3A_58], %swap3A_61 {strides = array<i32>} : memref<125x128xf32, #tpu.memory_space<vmem>>, vector<1x16xf32>,
      }
      %scan3A_52 = arith.constant 8 : i32
    }
    %scan3A_6 = arith.constant 64 : i32
    %mul3A = arith.constant 640 : i32
    %mul3A_7 = arith.muli %arg1, %mul3A : i32
    %scan3A_8 = arith.constant 0 : i32
    %scan3A_9 = arith.constant 10 : i32
    %scan3A_10 = arith.addi %scan3A_8, %scan3A_9 : i32
    %scan3A_11 = arith.constant 1 : i32
    scf.for %scan3A_44 = %scan3A_8 to %scan3A_10 step %scan3A_11  : i32 {
      %mul3A_45 = arith.constant 1 : i32
      %mul3A_46 = arith.muli %scan3A_44, %mul3A_45 : i32
      %add3A = arith.constant 0 : i32
      %add3A_47 = arith.addi %add3A, %mul3A_46 : i32
      %mul3A_48 = arith.constant 64 : i32
      %mul3A_49 = arith.muli %add3A_47, %mul3A_48 : i32
      %add3A_50 = arith.addi %mul3A_7, %mul3A_49 : i32
      %dma_start3A = arith.constant 0 : i32
      %dma_start3A_51 = arith.constant 0 : i32
      %dma_start3A_52 = tpu.memref_slice %arg5[%dma_start3A, %dma_start3A_51] : memref<125x128xf32, #tpu.memory_space<vmem>> -> memref<64x128xf32, #tpu.memory_space<vmem>>
      %dma_start3A_53 = arith.constant 0 : i32
      %dma_start3A_54 = tpu.memref_slice %arg7[%add3A_50, %dma_start3A_53] : memref<10240x128xf32, #tpu.memory_space<vmem_shared>> -> memref<64x128xf32, #tpu.memory_space<vmem_shared>>
      %dma_start3A_55 = arith.constant 0 : i32
      %dma_start3A_56 = tpu.memref_slice %arg7[%add3A_50, %dma_start3A_55] : memref<10240x128xf32, #tpu.memory_space<vmem_shared>> -> memref<64x128xf32, #tpu.memory_space<vmem_shared>>
      %dma_start3A_57 = arith.constant 0 : i32
      %dma_start3A_58 = arith.constant 0 : i32
      %dma_start3A_59 = tpu.memref_slice %arg5[%dma_start3A_57, %dma_start3A_58] : memref<125x128xf32, #tpu.memory_space<vmem>> -> memref<64x128xf32, #tpu.memory_space<vmem>>
      tpu.enqueue_dma source(%dma_start3A_59 : memref<64x128xf32, #tpu.memory_space<vmem>>) target(%dma_start3A_56 : memref<64x128xf32, #tpu.memory_space<vmem_shared>>) target_semaphore(%arg6 : memref<!tpu.dma_semaphore, #tpu.memory_space<semaphore_mem>>)
    }
    %scan3A_12 = arith.constant 10 : i32
    %scan3A_13 = arith.constant 0 : i32
    %scan3A_14 = arith.constant 10 : i32
    %scan3A_15 = arith.addi %scan3A_13, %scan3A_14 : i32
    %scan3A_16 = arith.constant 1 : i32
    scf.for %scan3A_44 = %scan3A_13 to %scan3A_15 step %scan3A_16  : i32 {
      %mul3A_45 = arith.constant 1 : i32
      %mul3A_46 = arith.muli %scan3A_44, %mul3A_45 : i32
      %add3A = arith.constant 0 : i32
      %add3A_47 = arith.addi %add3A, %mul3A_46 : i32
      %dma_wait3A = arith.constant 0 : i32
      %dma_wait3A_48 = arith.constant 0 : i32
      %dma_wait3A_49 = tpu.memref_slice %arg5[%dma_wait3A, %dma_wait3A_48] : memref<125x128xf32, #tpu.memory_space<vmem>> -> memref<64x128xf32, #tpu.memory_space<vmem>>
      %dma_wait3A_50 = arith.constant 0 : i32
      %dma_wait3A_51 = tpu.memref_slice %arg7[%mul3A_7, %dma_wait3A_50] : memref<10240x128xf32, #tpu.memory_space<vmem_shared>> -> memref<64x128xf32, #tpu.memory_space<vmem_shared>>
      %dma_wait3A_52 = arith.constant 0 : i32
      %dma_wait3A_53 = tpu.memref_slice %arg7[%mul3A_7, %dma_wait3A_52] : memref<10240x128xf32, #tpu.memory_space<vmem_shared>> -> memref<64x128xf32, #tpu.memory_space<vmem_shared>>
      %dma_wait3A_54 = arith.constant 0 : i32
      %dma_wait3A_55 = arith.constant 0 : i32
      %dma_wait3A_56 = tpu.memref_slice %arg5[%dma_wait3A_54, %dma_wait3A_55] : memref<125x128xf32, #tpu.memory_space<vmem>> -> memref<64x128xf32, #tpu.memory_space<vmem>>
      tpu.wait_dma2 semaphore(%arg6 : memref<!tpu.dma_semaphore, #tpu.memory_space<semaphore_mem>>) src(%dma_wait3A_56 : memref<64x128xf32, #tpu.memory_space<vmem>>) dst(%dma_wait3A_53 : memref<64x128xf32, #tpu.memory_space<vmem_shared>>)
    }
    %scan3A_17 = arith.constant 10 : i32
    %barrier3A = arith.constant 0 : index
    tpu.barrier barrier_id(%barrier3A)
    %scan3A_18 = arith.constant 0 : i32
    %scan3A_19 = arith.constant 125 : i32
    %scan3A_20 = arith.addi %scan3A_18, %scan3A_19 : i32
    %scan3A_21 = arith.constant 1 : i32
    scf.for %scan3A_44 = %scan3A_18 to %scan3A_20 step %scan3A_21  : i32 {
      %mul3A_45 = arith.constant 1 : i32
      %mul3A_46 = arith.muli %scan3A_44, %mul3A_45 : i32
      %add3A = arith.constant 0 : i32
      %add3A_47 = arith.addi %add3A, %mul3A_46 : i32
      %scan3A_48 = arith.constant 0 : i32
      %scan3A_49 = arith.constant 8 : i32
      %scan3A_50 = arith.addi %scan3A_48, %scan3A_49 : i32
      %scan3A_51 = arith.constant 1 : i32
      scf.for %scan3A_53 = %scan3A_48 to %scan3A_50 step %scan3A_51  : i32 {
        %mul3A_54 = arith.constant 16 : i32
        %mul3A_55 = arith.muli %scan3A_53, %mul3A_54 : i32
        %add3A_56 = arith.constant 0 : i32
        %add3A_57 = arith.addi %add3A_56, %mul3A_55 : i32
        %swap3A = arith.index_cast %add3A_47 : i32 to index
        %swap3A_58 = arith.index_cast %add3A_57 : i32 to index
        %swap3A_59 = tpu.vector_load %arg5[%swap3A, %swap3A_58] {strides = array<i32>} : memref<125x128xf32, #tpu.memory_space<vmem>>, vector<1x16xf32>,
        %swap3A_60 = vector.shape_cast %swap3A_59 : vector<1x16xf32> to vector<16xf32>
        %swap3A_61 = vector.shape_cast %broadcast_in_dim3A_2 : vector<16xf32> to vector<1x16xf32>
        tpu.vector_store %arg5[%swap3A, %swap3A_58], %swap3A_61 {strides = array<i32>} : memref<125x128xf32, #tpu.memory_space<vmem>>, vector<1x16xf32>,
      }
      %scan3A_52 = arith.constant 8 : i32
    }
    %scan3A_22 = arith.constant 125 : i32
    "tpu.region"() ({
      %run_scoped3A = tpu.sem_alloc : memref<!tpu.dma_semaphore, #tpu.memory_space<semaphore_mem>>
      %dma_start3A = arith.constant 0 : i32
      %dma_start3A_44 = arith.constant 0 : i32
      %dma_start3A_45 = tpu.memref_slice %arg2[%arg0, %arg1, %dma_start3A, %dma_start3A_44] : memref<2x16x80x125xi32, #tpu.memory_space<hbm>> -> memref<1x1x80x125xi32, #tpu.memory_space<hbm>>
      %dma_start3A_46 = tpu.memref_squeeze %dma_start3A_45 : memref<1x1x80x125xi32, #tpu.memory_space<hbm>> -> memref<80x125xi32, #tpu.memory_space<hbm>>
      %dma_start3A_47 = arith.constant 0 : i32
      %dma_start3A_48 = arith.constant 0 : i32
      %dma_start3A_49 = tpu.memref_slice %arg2[%arg0, %arg1, %dma_start3A_47, %dma_start3A_48] : memref<2x16x80x125xi32, #tpu.memory_space<hbm>> -> memref<1x1x80x125xi32, #tpu.memory_space<hbm>>
      %dma_start3A_50 = tpu.memref_squeeze %dma_start3A_49 : memref<1x1x80x125xi32, #tpu.memory_space<hbm>> -> memref<80x125xi32, #tpu.memory_space<hbm>>
      tpu.enqueue_dma source(%dma_start3A_50 : memref<80x125xi32, #tpu.memory_space<hbm>>) target(%arg4 : memref<80x125xi32, #tpu.memory_space<vmem>>) target_semaphore(%run_scoped3A : memref<!tpu.dma_semaphore, #tpu.memory_space<semaphore_mem>>)
      %dma_wait3A = arith.constant 0 : i32
      %dma_wait3A_51 = arith.constant 0 : i32
      %dma_wait3A_52 = tpu.memref_slice %arg2[%arg0, %arg1, %dma_wait3A, %dma_wait3A_51] : memref<2x16x80x125xi32, #tpu.memory_space<hbm>> -> memref<1x1x80x125xi32, #tpu.memory_space<hbm>>
      %dma_wait3A_53 = tpu.memref_squeeze %dma_wait3A_52 : memref<1x1x80x125xi32, #tpu.memory_space<hbm>> -> memref<80x125xi32, #tpu.memory_space<hbm>>
      %dma_wait3A_54 = arith.constant 0 : i32
      %dma_wait3A_55 = arith.constant 0 : i32
      %dma_wait3A_56 = tpu.memref_slice %arg2[%arg0, %arg1, %dma_wait3A_54, %dma_wait3A_55] : memref<2x16x80x125xi32, #tpu.memory_space<hbm>> -> memref<1x1x80x125xi32, #tpu.memory_space<hbm>>
      %dma_wait3A_57 = tpu.memref_squeeze %dma_wait3A_56 : memref<1x1x80x125xi32, #tpu.memory_space<hbm>> -> memref<80x125xi32, #tpu.memory_space<hbm>>
      tpu.wait_dma2 semaphore(%run_scoped3A : memref<!tpu.dma_semaphore, #tpu.memory_space<semaphore_mem>>) src(%dma_wait3A_57 : memref<80x125xi32, #tpu.memory_space<hbm>>) dst(%arg4 : memref<80x125xi32, #tpu.memory_space<vmem>>)
      tpu.yield
    }) : () -> ()
    %scan3A_23 = arith.constant 0 : i32
    %scan3A_24 = arith.constant 80 : i32
    %scan3A_25 = arith.addi %scan3A_23, %scan3A_24 : i32
    %scan3A_26 = arith.constant 1 : i32
    scf.for %scan3A_44 = %scan3A_23 to %scan3A_25 step %scan3A_26  : i32 {
      %mul3A_45 = arith.constant 1 : i32
      %mul3A_46 = arith.muli %scan3A_44, %mul3A_45 : i32
      %add3A = arith.constant 0 : i32
      %add3A_47 = arith.addi %add3A, %mul3A_46 : i32
      %dma_start3A = arith.constant 0 : i32
      %dma_start3A_48 = tpu.memref_slice %arg4[%add3A_47, %dma_start3A] : memref<80x125xi32, #tpu.memory_space<vmem>> -> memref<1x125xi32, #tpu.memory_space<vmem>>
      %dma_start3A_49 = tpu.memref_squeeze %dma_start3A_48 : memref<1x125xi32, #tpu.memory_space<vmem>> -> memref<125xi32, #tpu.memory_space<vmem>>
      %dma_start3A_50 = arith.constant 0 : i32
      %dma_start3A_51 = arith.constant 0 : i32
      %dma_start3A_52 = tpu.memref_slice %arg7[%dma_start3A_50, %dma_start3A_51] : memref<10240x128xf32, #tpu.memory_space<vmem_shared>> -> memref<10240x128xf32, #tpu.memory_space<vmem_shared>>
      tpu.enqueue_indirect_dma source(%arg5 : memref<125x128xf32, #tpu.memory_space<vmem>>) target(%dma_start3A_52 : memref<10240x128xf32, #tpu.memory_space<vmem_shared>>) offsets(%dma_start3A_49 : memref<125xi32, #tpu.memory_space<vmem>>) semaphore(%arg6 : memref<!tpu.dma_semaphore, #tpu.memory_space<semaphore_mem>>) {add = true}
    }
    %scan3A_27 = arith.constant 80 : i32
    %scan3A_28 = arith.constant 0 : i32
    %scan3A_29 = arith.constant 80 : i32
    %scan3A_30 = arith.addi %scan3A_28, %scan3A_29 : i32
    %scan3A_31 = arith.constant 1 : i32
    scf.for %scan3A_44 = %scan3A_28 to %scan3A_30 step %scan3A_31  : i32 {
      %mul3A_45 = arith.constant 1 : i32
      %mul3A_46 = arith.muli %scan3A_44, %mul3A_45 : i32
      %add3A = arith.constant 0 : i32
      %add3A_47 = arith.addi %add3A, %mul3A_46 : i32
      %dma_wait3A = arith.constant 0 : i32
      %dma_wait3A_48 = arith.constant 0 : i32
      %dma_wait3A_49 = tpu.memref_slice %arg4[%dma_wait3A, %dma_wait3A_48] : memref<80x125xi32, #tpu.memory_space<vmem>> -> memref<1x125xi32, #tpu.memory_space<vmem>>
      %dma_wait3A_50 = tpu.memref_squeeze %dma_wait3A_49 : memref<1x125xi32, #tpu.memory_space<vmem>> -> memref<125xi32, #tpu.memory_space<vmem>>
      %dma_wait3A_51 = arith.constant 0 : i32
      %dma_wait3A_52 = arith.constant 0 : i32
      %dma_wait3A_53 = tpu.memref_slice %arg7[%dma_wait3A_51, %dma_wait3A_52] : memref<10240x128xf32, #tpu.memory_space<vmem_shared>> -> memref<10240x128xf32, #tpu.memory_space<vmem_shared>>
      tpu.wait_indirect_dma semaphore(%arg6 : memref<!tpu.dma_semaphore, #tpu.memory_space<semaphore_mem>>) src(%arg5 : memref<125x128xf32, #tpu.memory_space<vmem>>) dst(%dma_wait3A_53 : memref<10240x128xf32, #tpu.memory_space<vmem_shared>>)
    }
    %scan3A_32 = arith.constant 80 : i32
    %barrier3A_33 = arith.constant 0 : index
    tpu.barrier barrier_id(%barrier3A_33)
    %scan3A_34 = arith.constant 0 : i32
    %scan3A_35 = arith.constant 10 : i32
    %scan3A_36 = arith.addi %scan3A_34, %scan3A_35 : i32
    %scan3A_37 = arith.constant 1 : i32
    scf.for %scan3A_44 = %scan3A_34 to %scan3A_36 step %scan3A_37  : i32 {
      %mul3A_45 = arith.constant 1 : i32
      %mul3A_46 = arith.muli %scan3A_44, %mul3A_45 : i32
      %add3A = arith.constant 0 : i32
      %add3A_47 = arith.addi %add3A, %mul3A_46 : i32
      %mul3A_48 = arith.constant 64 : i32
      %mul3A_49 = arith.muli %add3A_47, %mul3A_48 : i32
      %add3A_50 = arith.addi %mul3A_7, %mul3A_49 : i32
      %dma_start3A = arith.constant 0 : i32
      %dma_start3A_51 = tpu.memref_slice %arg3[%arg0, %add3A_50, %dma_start3A] : memref<2x10240x128xf32, #tpu.memory_space<hbm>> -> memref<1x64x128xf32, #tpu.memory_space<hbm>>
      %dma_start3A_52 = tpu.memref_squeeze %dma_start3A_51 : memref<1x64x128xf32, #tpu.memory_space<hbm>> -> memref<64x128xf32, #tpu.memory_space<hbm>>
      %dma_start3A_53 = arith.constant 0 : i32
      %dma_start3A_54 = tpu.memref_slice %arg7[%add3A_50, %dma_start3A_53] : memref<10240x128xf32, #tpu.memory_space<vmem_shared>> -> memref<64x128xf32, #tpu.memory_space<vmem_shared>>
      tpu.enqueue_dma source(%dma_start3A_54 : memref<64x128xf32, #tpu.memory_space<vmem_shared>>) target(%dma_start3A_52 : memref<64x128xf32, #tpu.memory_space<hbm>>) target_semaphore(%arg6 : memref<!tpu.dma_semaphore, #tpu.memory_space<semaphore_mem>>)
    }
    %scan3A_38 = arith.constant 10 : i32
    %scan3A_39 = arith.constant 0 : i32
    %scan3A_40 = arith.constant 10 : i32
    %scan3A_41 = arith.addi %scan3A_39, %scan3A_40 : i32
    %scan3A_42 = arith.constant 1 : i32
    scf.for %scan3A_44 = %scan3A_39 to %scan3A_41 step %scan3A_42  : i32 {
      %mul3A_45 = arith.constant 1 : i32
      %mul3A_46 = arith.muli %scan3A_44, %mul3A_45 : i32
      %add3A = arith.constant 0 : i32
      %add3A_47 = arith.addi %add3A, %mul3A_46 : i32
      %dma_wait3A = arith.constant 0 : i32
      %dma_wait3A_48 = tpu.memref_slice %arg3[%arg0, %mul3A_7, %dma_wait3A] : memref<2x10240x128xf32, #tpu.memory_space<hbm>> -> memref<1x64x128xf32, #tpu.memory_space<hbm>>
      %dma_wait3A_49 = tpu.memref_squeeze %dma_wait3A_48 : memref<1x64x128xf32, #tpu.memory_space<hbm>> -> memref<64x128xf32, #tpu.memory_space<hbm>>
      %dma_wait3A_50 = arith.constant 0 : i32
      %dma_wait3A_51 = tpu.memref_slice %arg7[%mul3A_7, %dma_wait3A_50] : memref<10240x128xf32, #tpu.memory_space<vmem_shared>> -> memref<64x128xf32, #tpu.memory_space<vmem_shared>>
      tpu.wait_dma2 semaphore(%arg6 : memref<!tpu.dma_semaphore, #tpu.memory_space<semaphore_mem>>) src(%dma_wait3A_51 : memref<64x128xf32, #tpu.memory_space<vmem_shared>>) dst(%dma_wait3A_49 : memref<64x128xf32, #tpu.memory_space<hbm>>)
    }
    %scan3A_43 = arith.constant 10 : i32
    return
  }
}

#map = affine_map<(d0, d1) -> (0, 0)>
#map1 = affine_map<(d0, d1) -> (0, 0, 0, 0)>
#map2 = affine_map<(d0, d1) -> (0, 0, 0)>
module attributes {stable_mosaic.version = 14 : i64} {
  func.func @_agg_body(%arg0: i32, %arg1: i32, %arg2: memref<10000x128xf32, #tpu.memory_space<hbm>>, %arg3: memref<2x16x80x125xi32, #tpu.memory_space<hbm>>, %arg4: memref<2x16x80x125xi32, #tpu.memory_space<hbm>>, %arg5: memref<2x10240x128xf32, #tpu.memory_space<hbm>>, %arg6: memref<40x125xi32, #tpu.memory_space<vmem>>, %arg7: memref<40x125xi32, #tpu.memory_space<vmem>>, %arg8: memref<125x128xf32, #tpu.memory_space<vmem>>, %arg9: memref<125x128xf32, #tpu.memory_space<vmem>>, %arg10: memref<!tpu.dma_semaphore, #tpu.memory_space<semaphore_mem>>, %arg11: memref<!tpu.dma_semaphore, #tpu.memory_space<semaphore_mem>>, %arg12: memref<10240x128xf32, #tpu.memory_space<vmem_shared>>) attributes {dimension_semantics = [#tpu.dimension_semantics<core_parallel>, #tpu.dimension_semantics<subcore_parallel>], iteration_bounds = array<i64: 2, 16>, scalar_prefetch = 0 : i64, scratch_operands = 7 : i64, tpu.core_type = #tpu.core_type<sc_vector_subcore>, window_params = [{transform_indices = #map}, {transform_indices = #map1}, {transform_indices = #map1}, {transform_indices = #map2}]} {
    %broadcast_in_dim3A = arith.constant 0.000000e+00 : f32
    %broadcast_in_dim3A_0 = vector.broadcast %broadcast_in_dim3A : f32 to vector<16xf32>
    %scan3A = arith.constant 0 : i32
    %scan3A_1 = arith.constant 64 : i32
    %scan3A_2 = arith.addi %scan3A, %scan3A_1 : i32
    %scan3A_3 = arith.constant 1 : i32
    scf.for %scan3A_32 = %scan3A to %scan3A_2 step %scan3A_3  : i32 {
      %mul3A_33 = arith.constant 1 : i32
      %mul3A_34 = arith.muli %scan3A_32, %mul3A_33 : i32
      %add3A = arith.constant 0 : i32
      %add3A_35 = arith.addi %add3A, %mul3A_34 : i32
      %scan3A_36 = arith.constant 0 : i32
      %scan3A_37 = arith.constant 8 : i32
      %scan3A_38 = arith.addi %scan3A_36, %scan3A_37 : i32
      %scan3A_39 = arith.constant 1 : i32
      scf.for %scan3A_41 = %scan3A_36 to %scan3A_38 step %scan3A_39  : i32 {
        %mul3A_42 = arith.constant 16 : i32
        %mul3A_43 = arith.muli %scan3A_41, %mul3A_42 : i32
        %add3A_44 = arith.constant 0 : i32
        %add3A_45 = arith.addi %add3A_44, %mul3A_43 : i32
        %swap3A = arith.index_cast %add3A_35 : i32 to index
        %swap3A_46 = arith.index_cast %add3A_45 : i32 to index
        %swap3A_47 = tpu.vector_load %arg8[%swap3A, %swap3A_46] {strides = array<i32>} : memref<125x128xf32, #tpu.memory_space<vmem>>, vector<1x16xf32>,
        %swap3A_48 = vector.shape_cast %swap3A_47 : vector<1x16xf32> to vector<16xf32>
        %swap3A_49 = vector.shape_cast %broadcast_in_dim3A_0 : vector<16xf32> to vector<1x16xf32>
        tpu.vector_store %arg8[%swap3A, %swap3A_46], %swap3A_49 {strides = array<i32>} : memref<125x128xf32, #tpu.memory_space<vmem>>, vector<1x16xf32>,
      }
      %scan3A_40 = arith.constant 8 : i32
    }
    %scan3A_4 = arith.constant 64 : i32
    %mul3A = arith.constant 640 : i32
    %mul3A_5 = arith.muli %arg1, %mul3A : i32
    %scan3A_6 = arith.constant 0 : i32
    %scan3A_7 = arith.constant 10 : i32
    %scan3A_8 = arith.addi %scan3A_6, %scan3A_7 : i32
    %scan3A_9 = arith.constant 1 : i32
    scf.for %scan3A_32 = %scan3A_6 to %scan3A_8 step %scan3A_9  : i32 {
      %mul3A_33 = arith.constant 1 : i32
      %mul3A_34 = arith.muli %scan3A_32, %mul3A_33 : i32
      %add3A = arith.constant 0 : i32
      %add3A_35 = arith.addi %add3A, %mul3A_34 : i32
      %mul3A_36 = arith.constant 64 : i32
      %mul3A_37 = arith.muli %add3A_35, %mul3A_36 : i32
      %add3A_38 = arith.addi %mul3A_5, %mul3A_37 : i32
      %dma_start3A = arith.constant 0 : i32
      %dma_start3A_39 = arith.constant 0 : i32
      %dma_start3A_40 = tpu.memref_slice %arg8[%dma_start3A, %dma_start3A_39] : memref<125x128xf32, #tpu.memory_space<vmem>> -> memref<64x128xf32, #tpu.memory_space<vmem>>
      %dma_start3A_41 = arith.constant 0 : i32
      %dma_start3A_42 = tpu.memref_slice %arg12[%add3A_38, %dma_start3A_41] : memref<10240x128xf32, #tpu.memory_space<vmem_shared>> -> memref<64x128xf32, #tpu.memory_space<vmem_shared>>
      %dma_start3A_43 = arith.constant 0 : i32
      %dma_start3A_44 = tpu.memref_slice %arg12[%add3A_38, %dma_start3A_43] : memref<10240x128xf32, #tpu.memory_space<vmem_shared>> -> memref<64x128xf32, #tpu.memory_space<vmem_shared>>
      %dma_start3A_45 = arith.constant 0 : i32
      %dma_start3A_46 = arith.constant 0 : i32
      %dma_start3A_47 = tpu.memref_slice %arg8[%dma_start3A_45, %dma_start3A_46] : memref<125x128xf32, #tpu.memory_space<vmem>> -> memref<64x128xf32, #tpu.memory_space<vmem>>
      tpu.enqueue_dma source(%dma_start3A_47 : memref<64x128xf32, #tpu.memory_space<vmem>>) target(%dma_start3A_44 : memref<64x128xf32, #tpu.memory_space<vmem_shared>>) target_semaphore(%arg10 : memref<!tpu.dma_semaphore, #tpu.memory_space<semaphore_mem>>)
    }
    %scan3A_10 = arith.constant 10 : i32
    %scan3A_11 = arith.constant 0 : i32
    %scan3A_12 = arith.constant 10 : i32
    %scan3A_13 = arith.addi %scan3A_11, %scan3A_12 : i32
    %scan3A_14 = arith.constant 1 : i32
    scf.for %scan3A_32 = %scan3A_11 to %scan3A_13 step %scan3A_14  : i32 {
      %mul3A_33 = arith.constant 1 : i32
      %mul3A_34 = arith.muli %scan3A_32, %mul3A_33 : i32
      %add3A = arith.constant 0 : i32
      %add3A_35 = arith.addi %add3A, %mul3A_34 : i32
      %dma_wait3A = arith.constant 0 : i32
      %dma_wait3A_36 = arith.constant 0 : i32
      %dma_wait3A_37 = tpu.memref_slice %arg8[%dma_wait3A, %dma_wait3A_36] : memref<125x128xf32, #tpu.memory_space<vmem>> -> memref<64x128xf32, #tpu.memory_space<vmem>>
      %dma_wait3A_38 = arith.constant 0 : i32
      %dma_wait3A_39 = tpu.memref_slice %arg12[%mul3A_5, %dma_wait3A_38] : memref<10240x128xf32, #tpu.memory_space<vmem_shared>> -> memref<64x128xf32, #tpu.memory_space<vmem_shared>>
      %dma_wait3A_40 = arith.constant 0 : i32
      %dma_wait3A_41 = tpu.memref_slice %arg12[%mul3A_5, %dma_wait3A_40] : memref<10240x128xf32, #tpu.memory_space<vmem_shared>> -> memref<64x128xf32, #tpu.memory_space<vmem_shared>>
      %dma_wait3A_42 = arith.constant 0 : i32
      %dma_wait3A_43 = arith.constant 0 : i32
      %dma_wait3A_44 = tpu.memref_slice %arg8[%dma_wait3A_42, %dma_wait3A_43] : memref<125x128xf32, #tpu.memory_space<vmem>> -> memref<64x128xf32, #tpu.memory_space<vmem>>
      tpu.wait_dma2 semaphore(%arg10 : memref<!tpu.dma_semaphore, #tpu.memory_space<semaphore_mem>>) src(%dma_wait3A_44 : memref<64x128xf32, #tpu.memory_space<vmem>>) dst(%dma_wait3A_41 : memref<64x128xf32, #tpu.memory_space<vmem_shared>>)
    }
    %scan3A_15 = arith.constant 10 : i32
    %barrier3A = arith.constant 0 : index
    tpu.barrier barrier_id(%barrier3A)
    %scan3A_16 = arith.constant 0 : i32
    %scan3A_17 = arith.constant 2 : i32
    %scan3A_18 = arith.addi %scan3A_16, %scan3A_17 : i32
    %scan3A_19 = arith.constant 1 : i32
    scf.for %scan3A_32 = %scan3A_16 to %scan3A_18 step %scan3A_19  : i32 {
      %mul3A_33 = arith.constant 1 : i32
      %mul3A_34 = arith.muli %scan3A_32, %mul3A_33 : i32
      %add3A = arith.constant 0 : i32
      %add3A_35 = arith.addi %add3A, %mul3A_34 : i32
      %mul3A_36 = arith.constant 40 : i32
      %mul3A_37 = arith.muli %add3A_35, %mul3A_36 : i32
      "tpu.region"() ({
        %run_scoped3A_72 = tpu.sem_alloc : memref<!tpu.dma_semaphore, #tpu.memory_space<semaphore_mem>>
        %dma_start3A_73 = arith.constant 0 : i32
        %dma_start3A_74 = tpu.memref_slice %arg3[%arg0, %arg1, %mul3A_37, %dma_start3A_73] : memref<2x16x80x125xi32, #tpu.memory_space<hbm>> -> memref<1x1x40x125xi32, #tpu.memory_space<hbm>>
        %dma_start3A_75 = tpu.memref_squeeze %dma_start3A_74 : memref<1x1x40x125xi32, #tpu.memory_space<hbm>> -> memref<40x125xi32, #tpu.memory_space<hbm>>
        %dma_start3A_76 = arith.constant 0 : i32
        %dma_start3A_77 = tpu.memref_slice %arg3[%arg0, %arg1, %mul3A_37, %dma_start3A_76] : memref<2x16x80x125xi32, #tpu.memory_space<hbm>> -> memref<1x1x40x125xi32, #tpu.memory_space<hbm>>
        %dma_start3A_78 = tpu.memref_squeeze %dma_start3A_77 : memref<1x1x40x125xi32, #tpu.memory_space<hbm>> -> memref<40x125xi32, #tpu.memory_space<hbm>>
        tpu.enqueue_dma source(%dma_start3A_78 : memref<40x125xi32, #tpu.memory_space<hbm>>) target(%arg6 : memref<40x125xi32, #tpu.memory_space<vmem>>) target_semaphore(%run_scoped3A_72 : memref<!tpu.dma_semaphore, #tpu.memory_space<semaphore_mem>>)
        %dma_wait3A_79 = arith.constant 0 : i32
        %dma_wait3A_80 = tpu.memref_slice %arg3[%arg0, %arg1, %mul3A_37, %dma_wait3A_79] : memref<2x16x80x125xi32, #tpu.memory_space<hbm>> -> memref<1x1x40x125xi32, #tpu.memory_space<hbm>>
        %dma_wait3A_81 = tpu.memref_squeeze %dma_wait3A_80 : memref<1x1x40x125xi32, #tpu.memory_space<hbm>> -> memref<40x125xi32, #tpu.memory_space<hbm>>
        %dma_wait3A_82 = arith.constant 0 : i32
        %dma_wait3A_83 = tpu.memref_slice %arg3[%arg0, %arg1, %mul3A_37, %dma_wait3A_82] : memref<2x16x80x125xi32, #tpu.memory_space<hbm>> -> memref<1x1x40x125xi32, #tpu.memory_space<hbm>>
        %dma_wait3A_84 = tpu.memref_squeeze %dma_wait3A_83 : memref<1x1x40x125xi32, #tpu.memory_space<hbm>> -> memref<40x125xi32, #tpu.memory_space<hbm>>
        tpu.wait_dma2 semaphore(%run_scoped3A_72 : memref<!tpu.dma_semaphore, #tpu.memory_space<semaphore_mem>>) src(%dma_wait3A_84 : memref<40x125xi32, #tpu.memory_space<hbm>>) dst(%arg6 : memref<40x125xi32, #tpu.memory_space<vmem>>)
        tpu.yield
      }) : () -> ()
      %mul3A_38 = arith.constant 40 : i32
      %mul3A_39 = arith.muli %add3A_35, %mul3A_38 : i32
      "tpu.region"() ({
        %run_scoped3A_72 = tpu.sem_alloc : memref<!tpu.dma_semaphore, #tpu.memory_space<semaphore_mem>>
        %dma_start3A_73 = arith.constant 0 : i32
        %dma_start3A_74 = tpu.memref_slice %arg4[%arg0, %arg1, %mul3A_39, %dma_start3A_73] : memref<2x16x80x125xi32, #tpu.memory_space<hbm>> -> memref<1x1x40x125xi32, #tpu.memory_space<hbm>>
        %dma_start3A_75 = tpu.memref_squeeze %dma_start3A_74 : memref<1x1x40x125xi32, #tpu.memory_space<hbm>> -> memref<40x125xi32, #tpu.memory_space<hbm>>
        %dma_start3A_76 = arith.constant 0 : i32
        %dma_start3A_77 = tpu.memref_slice %arg4[%arg0, %arg1, %mul3A_39, %dma_start3A_76] : memref<2x16x80x125xi32, #tpu.memory_space<hbm>> -> memref<1x1x40x125xi32, #tpu.memory_space<hbm>>
        %dma_start3A_78 = tpu.memref_squeeze %dma_start3A_77 : memref<1x1x40x125xi32, #tpu.memory_space<hbm>> -> memref<40x125xi32, #tpu.memory_space<hbm>>
        tpu.enqueue_dma source(%dma_start3A_78 : memref<40x125xi32, #tpu.memory_space<hbm>>) target(%arg7 : memref<40x125xi32, #tpu.memory_space<vmem>>) target_semaphore(%run_scoped3A_72 : memref<!tpu.dma_semaphore, #tpu.memory_space<semaphore_mem>>)
        %dma_wait3A_79 = arith.constant 0 : i32
        %dma_wait3A_80 = tpu.memref_slice %arg4[%arg0, %arg1, %mul3A_39, %dma_wait3A_79] : memref<2x16x80x125xi32, #tpu.memory_space<hbm>> -> memref<1x1x40x125xi32, #tpu.memory_space<hbm>>
        %dma_wait3A_81 = tpu.memref_squeeze %dma_wait3A_80 : memref<1x1x40x125xi32, #tpu.memory_space<hbm>> -> memref<40x125xi32, #tpu.memory_space<hbm>>
        %dma_wait3A_82 = arith.constant 0 : i32
        %dma_wait3A_83 = tpu.memref_slice %arg4[%arg0, %arg1, %mul3A_39, %dma_wait3A_82] : memref<2x16x80x125xi32, #tpu.memory_space<hbm>> -> memref<1x1x40x125xi32, #tpu.memory_space<hbm>>
        %dma_wait3A_84 = tpu.memref_squeeze %dma_wait3A_83 : memref<1x1x40x125xi32, #tpu.memory_space<hbm>> -> memref<40x125xi32, #tpu.memory_space<hbm>>
        tpu.wait_dma2 semaphore(%run_scoped3A_72 : memref<!tpu.dma_semaphore, #tpu.memory_space<semaphore_mem>>) src(%dma_wait3A_84 : memref<40x125xi32, #tpu.memory_space<hbm>>) dst(%arg7 : memref<40x125xi32, #tpu.memory_space<vmem>>)
        tpu.yield
      }) : () -> ()
      %dma_start3A = arith.constant 0 : i32
      %dma_start3A_40 = arith.constant 0 : i32
      %dma_start3A_41 = tpu.memref_slice %arg6[%dma_start3A, %dma_start3A_40] : memref<40x125xi32, #tpu.memory_space<vmem>> -> memref<1x125xi32, #tpu.memory_space<vmem>>
      %dma_start3A_42 = tpu.memref_squeeze %dma_start3A_41 : memref<1x125xi32, #tpu.memory_space<vmem>> -> memref<125xi32, #tpu.memory_space<vmem>>
      %dma_start3A_43 = arith.constant 0 : i32
      %dma_start3A_44 = arith.constant 0 : i32
      %dma_start3A_45 = tpu.memref_slice %arg2[%dma_start3A_43, %dma_start3A_44] : memref<10000x128xf32, #tpu.memory_space<hbm>> -> memref<10000x128xf32, #tpu.memory_space<hbm>>
      tpu.enqueue_indirect_dma source(%dma_start3A_45 : memref<10000x128xf32, #tpu.memory_space<hbm>>) target(%arg8 : memref<125x128xf32, #tpu.memory_space<vmem>>) offsets(%dma_start3A_42 : memref<125xi32, #tpu.memory_space<vmem>>) semaphore(%arg10 : memref<!tpu.dma_semaphore, #tpu.memory_space<semaphore_mem>>)
      %dma_start3A_46 = arith.constant 1 : i32
      %dma_start3A_47 = arith.constant 0 : i32
      %dma_start3A_48 = tpu.memref_slice %arg6[%dma_start3A_46, %dma_start3A_47] : memref<40x125xi32, #tpu.memory_space<vmem>> -> memref<1x125xi32, #tpu.memory_space<vmem>>
      %dma_start3A_49 = tpu.memref_squeeze %dma_start3A_48 : memref<1x125xi32, #tpu.memory_space<vmem>> -> memref<125xi32, #tpu.memory_space<vmem>>
      %dma_start3A_50 = arith.constant 0 : i32
      %dma_start3A_51 = arith.constant 0 : i32
      %dma_start3A_52 = tpu.memref_slice %arg2[%dma_start3A_50, %dma_start3A_51] : memref<10000x128xf32, #tpu.memory_space<hbm>> -> memref<10000x128xf32, #tpu.memory_space<hbm>>
      tpu.enqueue_indirect_dma source(%dma_start3A_52 : memref<10000x128xf32, #tpu.memory_space<hbm>>) target(%arg9 : memref<125x128xf32, #tpu.memory_space<vmem>>) offsets(%dma_start3A_49 : memref<125xi32, #tpu.memory_space<vmem>>) semaphore(%arg11 : memref<!tpu.dma_semaphore, #tpu.memory_space<semaphore_mem>>)
      %scan3A_53 = arith.constant 0 : i32
      %scan3A_54 = arith.constant 19 : i32
      %scan3A_55 = arith.addi %scan3A_53, %scan3A_54 : i32
      %scan3A_56 = arith.constant 1 : i32
      scf.for %scan3A_72 = %scan3A_53 to %scan3A_55 step %scan3A_56  : i32 {
        %mul3A_73 = arith.constant 2 : i32
        %mul3A_74 = arith.muli %scan3A_72, %mul3A_73 : i32
        %add3A_75 = arith.constant 0 : i32
        %add3A_76 = arith.addi %add3A_75, %mul3A_74 : i32
        %dma_wait3A_77 = arith.constant 0 : i32
        %dma_wait3A_78 = arith.constant 0 : i32
        %dma_wait3A_79 = tpu.memref_slice %arg6[%dma_wait3A_77, %dma_wait3A_78] : memref<40x125xi32, #tpu.memory_space<vmem>> -> memref<1x125xi32, #tpu.memory_space<vmem>>
        %dma_wait3A_80 = tpu.memref_squeeze %dma_wait3A_79 : memref<1x125xi32, #tpu.memory_space<vmem>> -> memref<125xi32, #tpu.memory_space<vmem>>
        %dma_wait3A_81 = arith.constant 0 : i32
        %dma_wait3A_82 = arith.constant 0 : i32
        %dma_wait3A_83 = tpu.memref_slice %arg2[%dma_wait3A_81, %dma_wait3A_82] : memref<10000x128xf32, #tpu.memory_space<hbm>> -> memref<10000x128xf32, #tpu.memory_space<hbm>>
        tpu.wait_indirect_dma semaphore(%arg10 : memref<!tpu.dma_semaphore, #tpu.memory_space<semaphore_mem>>) src(%dma_wait3A_83 : memref<10000x128xf32, #tpu.memory_space<hbm>>) dst(%arg8 : memref<125x128xf32, #tpu.memory_space<vmem>>)
        "tpu.region"() ({
          %run_scoped3A_109 = tpu.sem_alloc : memref<!tpu.dma_semaphore, #tpu.memory_space<semaphore_mem>>
          %dma_start3A_110 = arith.constant 0 : i32
          %dma_start3A_111 = tpu.memref_slice %arg7[%add3A_76, %dma_start3A_110] : memref<40x125xi32, #tpu.memory_space<vmem>> -> memref<1x125xi32, #tpu.memory_space<vmem>>
          %dma_start3A_112 = tpu.memref_squeeze %dma_start3A_111 : memref<1x125xi32, #tpu.memory_space<vmem>> -> memref<125xi32, #tpu.memory_space<vmem>>
          %dma_start3A_113 = arith.constant 0 : i32
          %dma_start3A_114 = arith.constant 0 : i32
          %dma_start3A_115 = tpu.memref_slice %arg12[%dma_start3A_113, %dma_start3A_114] : memref<10240x128xf32, #tpu.memory_space<vmem_shared>> -> memref<10240x128xf32, #tpu.memory_space<vmem_shared>>
          tpu.enqueue_indirect_dma source(%arg8 : memref<125x128xf32, #tpu.memory_space<vmem>>) target(%dma_start3A_115 : memref<10240x128xf32, #tpu.memory_space<vmem_shared>>) offsets(%dma_start3A_112 : memref<125xi32, #tpu.memory_space<vmem>>) semaphore(%run_scoped3A_109 : memref<!tpu.dma_semaphore, #tpu.memory_space<semaphore_mem>>) {add = true}
          %dma_wait3A_116 = arith.constant 0 : i32
          %dma_wait3A_117 = tpu.memref_slice %arg7[%add3A_76, %dma_wait3A_116] : memref<40x125xi32, #tpu.memory_space<vmem>> -> memref<1x125xi32, #tpu.memory_space<vmem>>
          %dma_wait3A_118 = tpu.memref_squeeze %dma_wait3A_117 : memref<1x125xi32, #tpu.memory_space<vmem>> -> memref<125xi32, #tpu.memory_space<vmem>>
          %dma_wait3A_119 = arith.constant 0 : i32
          %dma_wait3A_120 = arith.constant 0 : i32
          %dma_wait3A_121 = tpu.memref_slice %arg12[%dma_wait3A_119, %dma_wait3A_120] : memref<10240x128xf32, #tpu.memory_space<vmem_shared>> -> memref<10240x128xf32, #tpu.memory_space<vmem_shared>>
          tpu.wait_indirect_dma semaphore(%run_scoped3A_109 : memref<!tpu.dma_semaphore, #tpu.memory_space<semaphore_mem>>) src(%arg8 : memref<125x128xf32, #tpu.memory_space<vmem>>) dst(%dma_wait3A_121 : memref<10240x128xf32, #tpu.memory_space<vmem_shared>>)
          tpu.yield
        }) : () -> ()
        %add3A_84 = arith.constant 2 : i32
        %add3A_85 = arith.addi %add3A_76, %add3A_84 : i32
        %dma_start3A_86 = arith.constant 0 : i32
        %dma_start3A_87 = tpu.memref_slice %arg6[%add3A_85, %dma_start3A_86] : memref<40x125xi32, #tpu.memory_space<vmem>> -> memref<1x125xi32, #tpu.memory_space<vmem>>
        %dma_start3A_88 = tpu.memref_squeeze %dma_start3A_87 : memref<1x125xi32, #tpu.memory_space<vmem>> -> memref<125xi32, #tpu.memory_space<vmem>>
        %dma_start3A_89 = arith.constant 0 : i32
        %dma_start3A_90 = arith.constant 0 : i32
        %dma_start3A_91 = tpu.memref_slice %arg2[%dma_start3A_89, %dma_start3A_90] : memref<10000x128xf32, #tpu.memory_space<hbm>> -> memref<10000x128xf32, #tpu.memory_space<hbm>>
        tpu.enqueue_indirect_dma source(%dma_start3A_91 : memref<10000x128xf32, #tpu.memory_space<hbm>>) target(%arg8 : memref<125x128xf32, #tpu.memory_space<vmem>>) offsets(%dma_start3A_88 : memref<125xi32, #tpu.memory_space<vmem>>) semaphore(%arg10 : memref<!tpu.dma_semaphore, #tpu.memory_space<semaphore_mem>>)
        %dma_wait3A_92 = arith.constant 0 : i32
        %dma_wait3A_93 = arith.constant 0 : i32
        %dma_wait3A_94 = tpu.memref_slice %arg6[%dma_wait3A_92, %dma_wait3A_93] : memref<40x125xi32, #tpu.memory_space<vmem>> -> memref<1x125xi32, #tpu.memory_space<vmem>>
        %dma_wait3A_95 = tpu.memref_squeeze %dma_wait3A_94 : memref<1x125xi32, #tpu.memory_space<vmem>> -> memref<125xi32, #tpu.memory_space<vmem>>
        %dma_wait3A_96 = arith.constant 0 : i32
        %dma_wait3A_97 = arith.constant 0 : i32
        %dma_wait3A_98 = tpu.memref_slice %arg2[%dma_wait3A_96, %dma_wait3A_97] : memref<10000x128xf32, #tpu.memory_space<hbm>> -> memref<10000x128xf32, #tpu.memory_space<hbm>>
        tpu.wait_indirect_dma semaphore(%arg11 : memref<!tpu.dma_semaphore, #tpu.memory_space<semaphore_mem>>) src(%dma_wait3A_98 : memref<10000x128xf32, #tpu.memory_space<hbm>>) dst(%arg9 : memref<125x128xf32, #tpu.memory_space<vmem>>)
        %add3A_99 = arith.constant 1 : i32
        %add3A_100 = arith.addi %add3A_76, %add3A_99 : i32
        "tpu.region"() ({
          %run_scoped3A_109 = tpu.sem_alloc : memref<!tpu.dma_semaphore, #tpu.memory_space<semaphore_mem>>
          %dma_start3A_110 = arith.constant 0 : i32
          %dma_start3A_111 = tpu.memref_slice %arg7[%add3A_100, %dma_start3A_110] : memref<40x125xi32, #tpu.memory_space<vmem>> -> memref<1x125xi32, #tpu.memory_space<vmem>>
          %dma_start3A_112 = tpu.memref_squeeze %dma_start3A_111 : memref<1x125xi32, #tpu.memory_space<vmem>> -> memref<125xi32, #tpu.memory_space<vmem>>
          %dma_start3A_113 = arith.constant 0 : i32
          %dma_start3A_114 = arith.constant 0 : i32
          %dma_start3A_115 = tpu.memref_slice %arg12[%dma_start3A_113, %dma_start3A_114] : memref<10240x128xf32, #tpu.memory_space<vmem_shared>> -> memref<10240x128xf32, #tpu.memory_space<vmem_shared>>
          tpu.enqueue_indirect_dma source(%arg9 : memref<125x128xf32, #tpu.memory_space<vmem>>) target(%dma_start3A_115 : memref<10240x128xf32, #tpu.memory_space<vmem_shared>>) offsets(%dma_start3A_112 : memref<125xi32, #tpu.memory_space<vmem>>) semaphore(%run_scoped3A_109 : memref<!tpu.dma_semaphore, #tpu.memory_space<semaphore_mem>>) {add = true}
          %dma_wait3A_116 = arith.constant 0 : i32
          %dma_wait3A_117 = tpu.memref_slice %arg7[%add3A_100, %dma_wait3A_116] : memref<40x125xi32, #tpu.memory_space<vmem>> -> memref<1x125xi32, #tpu.memory_space<vmem>>
          %dma_wait3A_118 = tpu.memref_squeeze %dma_wait3A_117 : memref<1x125xi32, #tpu.memory_space<vmem>> -> memref<125xi32, #tpu.memory_space<vmem>>
          %dma_wait3A_119 = arith.constant 0 : i32
          %dma_wait3A_120 = arith.constant 0 : i32
          %dma_wait3A_121 = tpu.memref_slice %arg12[%dma_wait3A_119, %dma_wait3A_120] : memref<10240x128xf32, #tpu.memory_space<vmem_shared>> -> memref<10240x128xf32, #tpu.memory_space<vmem_shared>>
          tpu.wait_indirect_dma semaphore(%run_scoped3A_109 : memref<!tpu.dma_semaphore, #tpu.memory_space<semaphore_mem>>) src(%arg9 : memref<125x128xf32, #tpu.memory_space<vmem>>) dst(%dma_wait3A_121 : memref<10240x128xf32, #tpu.memory_space<vmem_shared>>)
          tpu.yield
        }) : () -> ()
        %add3A_101 = arith.constant 3 : i32
        %add3A_102 = arith.addi %add3A_76, %add3A_101 : i32
        %dma_start3A_103 = arith.constant 0 : i32
        %dma_start3A_104 = tpu.memref_slice %arg6[%add3A_102, %dma_start3A_103] : memref<40x125xi32, #tpu.memory_space<vmem>> -> memref<1x125xi32, #tpu.memory_space<vmem>>
        %dma_start3A_105 = tpu.memref_squeeze %dma_start3A_104 : memref<1x125xi32, #tpu.memory_space<vmem>> -> memref<125xi32, #tpu.memory_space<vmem>>
        %dma_start3A_106 = arith.constant 0 : i32
        %dma_start3A_107 = arith.constant 0 : i32
        %dma_start3A_108 = tpu.memref_slice %arg2[%dma_start3A_106, %dma_start3A_107] : memref<10000x128xf32, #tpu.memory_space<hbm>> -> memref<10000x128xf32, #tpu.memory_space<hbm>>
        tpu.enqueue_indirect_dma source(%dma_start3A_108 : memref<10000x128xf32, #tpu.memory_space<hbm>>) target(%arg9 : memref<125x128xf32, #tpu.memory_space<vmem>>) offsets(%dma_start3A_105 : memref<125xi32, #tpu.memory_space<vmem>>) semaphore(%arg11 : memref<!tpu.dma_semaphore, #tpu.memory_space<semaphore_mem>>)
      }
      %scan3A_57 = arith.constant 19 : i32
      %dma_wait3A = arith.constant 0 : i32
      %dma_wait3A_58 = arith.constant 0 : i32
      %dma_wait3A_59 = tpu.memref_slice %arg6[%dma_wait3A, %dma_wait3A_58] : memref<40x125xi32, #tpu.memory_space<vmem>> -> memref<1x125xi32, #tpu.memory_space<vmem>>
      %dma_wait3A_60 = tpu.memref_squeeze %dma_wait3A_59 : memref<1x125xi32, #tpu.memory_space<vmem>> -> memref<125xi32, #tpu.memory_space<vmem>>
      %dma_wait3A_61 = arith.constant 0 : i32
      %dma_wait3A_62 = arith.constant 0 : i32
      %dma_wait3A_63 = tpu.memref_slice %arg2[%dma_wait3A_61, %dma_wait3A_62] : memref<10000x128xf32, #tpu.memory_space<hbm>> -> memref<10000x128xf32, #tpu.memory_space<hbm>>
      tpu.wait_indirect_dma semaphore(%arg10 : memref<!tpu.dma_semaphore, #tpu.memory_space<semaphore_mem>>) src(%dma_wait3A_63 : memref<10000x128xf32, #tpu.memory_space<hbm>>) dst(%arg8 : memref<125x128xf32, #tpu.memory_space<vmem>>)
      %run_scoped3A = arith.constant 38 : i32
      "tpu.region"() ({
        %run_scoped3A_72 = tpu.sem_alloc : memref<!tpu.dma_semaphore, #tpu.memory_space<semaphore_mem>>
        %dma_start3A_73 = arith.constant 0 : i32
        %dma_start3A_74 = tpu.memref_slice %arg7[%run_scoped3A, %dma_start3A_73] : memref<40x125xi32, #tpu.memory_space<vmem>> -> memref<1x125xi32, #tpu.memory_space<vmem>>
        %dma_start3A_75 = tpu.memref_squeeze %dma_start3A_74 : memref<1x125xi32, #tpu.memory_space<vmem>> -> memref<125xi32, #tpu.memory_space<vmem>>
        %dma_start3A_76 = arith.constant 0 : i32
        %dma_start3A_77 = arith.constant 0 : i32
        %dma_start3A_78 = tpu.memref_slice %arg12[%dma_start3A_76, %dma_start3A_77] : memref<10240x128xf32, #tpu.memory_space<vmem_shared>> -> memref<10240x128xf32, #tpu.memory_space<vmem_shared>>
        tpu.enqueue_indirect_dma source(%arg8 : memref<125x128xf32, #tpu.memory_space<vmem>>) target(%dma_start3A_78 : memref<10240x128xf32, #tpu.memory_space<vmem_shared>>) offsets(%dma_start3A_75 : memref<125xi32, #tpu.memory_space<vmem>>) semaphore(%run_scoped3A_72 : memref<!tpu.dma_semaphore, #tpu.memory_space<semaphore_mem>>) {add = true}
        %dma_wait3A_79 = arith.constant 0 : i32
        %dma_wait3A_80 = tpu.memref_slice %arg7[%run_scoped3A, %dma_wait3A_79] : memref<40x125xi32, #tpu.memory_space<vmem>> -> memref<1x125xi32, #tpu.memory_space<vmem>>
        %dma_wait3A_81 = tpu.memref_squeeze %dma_wait3A_80 : memref<1x125xi32, #tpu.memory_space<vmem>> -> memref<125xi32, #tpu.memory_space<vmem>>
        %dma_wait3A_82 = arith.constant 0 : i32
        %dma_wait3A_83 = arith.constant 0 : i32
        %dma_wait3A_84 = tpu.memref_slice %arg12[%dma_wait3A_82, %dma_wait3A_83] : memref<10240x128xf32, #tpu.memory_space<vmem_shared>> -> memref<10240x128xf32, #tpu.memory_space<vmem_shared>>
        tpu.wait_indirect_dma semaphore(%run_scoped3A_72 : memref<!tpu.dma_semaphore, #tpu.memory_space<semaphore_mem>>) src(%arg8 : memref<125x128xf32, #tpu.memory_space<vmem>>) dst(%dma_wait3A_84 : memref<10240x128xf32, #tpu.memory_space<vmem_shared>>)
        tpu.yield
      }) : () -> ()
      %dma_wait3A_64 = arith.constant 0 : i32
      %dma_wait3A_65 = arith.constant 0 : i32
      %dma_wait3A_66 = tpu.memref_slice %arg6[%dma_wait3A_64, %dma_wait3A_65] : memref<40x125xi32, #tpu.memory_space<vmem>> -> memref<1x125xi32, #tpu.memory_space<vmem>>
      %dma_wait3A_67 = tpu.memref_squeeze %dma_wait3A_66 : memref<1x125xi32, #tpu.memory_space<vmem>> -> memref<125xi32, #tpu.memory_space<vmem>>
      %dma_wait3A_68 = arith.constant 0 : i32
      %dma_wait3A_69 = arith.constant 0 : i32
      %dma_wait3A_70 = tpu.memref_slice %arg2[%dma_wait3A_68, %dma_wait3A_69] : memref<10000x128xf32, #tpu.memory_space<hbm>> -> memref<10000x128xf32, #tpu.memory_space<hbm>>
      tpu.wait_indirect_dma semaphore(%arg11 : memref<!tpu.dma_semaphore, #tpu.memory_space<semaphore_mem>>) src(%dma_wait3A_70 : memref<10000x128xf32, #tpu.memory_space<hbm>>) dst(%arg9 : memref<125x128xf32, #tpu.memory_space<vmem>>)
      %run_scoped3A_71 = arith.constant 39 : i32
      "tpu.region"() ({
        %run_scoped3A_72 = tpu.sem_alloc : memref<!tpu.dma_semaphore, #tpu.memory_space<semaphore_mem>>
        %dma_start3A_73 = arith.constant 0 : i32
        %dma_start3A_74 = tpu.memref_slice %arg7[%run_scoped3A_71, %dma_start3A_73] : memref<40x125xi32, #tpu.memory_space<vmem>> -> memref<1x125xi32, #tpu.memory_space<vmem>>
        %dma_start3A_75 = tpu.memref_squeeze %dma_start3A_74 : memref<1x125xi32, #tpu.memory_space<vmem>> -> memref<125xi32, #tpu.memory_space<vmem>>
        %dma_start3A_76 = arith.constant 0 : i32
        %dma_start3A_77 = arith.constant 0 : i32
        %dma_start3A_78 = tpu.memref_slice %arg12[%dma_start3A_76, %dma_start3A_77] : memref<10240x128xf32, #tpu.memory_space<vmem_shared>> -> memref<10240x128xf32, #tpu.memory_space<vmem_shared>>
        tpu.enqueue_indirect_dma source(%arg9 : memref<125x128xf32, #tpu.memory_space<vmem>>) target(%dma_start3A_78 : memref<10240x128xf32, #tpu.memory_space<vmem_shared>>) offsets(%dma_start3A_75 : memref<125xi32, #tpu.memory_space<vmem>>) semaphore(%run_scoped3A_72 : memref<!tpu.dma_semaphore, #tpu.memory_space<semaphore_mem>>) {add = true}
        %dma_wait3A_79 = arith.constant 0 : i32
        %dma_wait3A_80 = tpu.memref_slice %arg7[%run_scoped3A_71, %dma_wait3A_79] : memref<40x125xi32, #tpu.memory_space<vmem>> -> memref<1x125xi32, #tpu.memory_space<vmem>>
        %dma_wait3A_81 = tpu.memref_squeeze %dma_wait3A_80 : memref<1x125xi32, #tpu.memory_space<vmem>> -> memref<125xi32, #tpu.memory_space<vmem>>
        %dma_wait3A_82 = arith.constant 0 : i32
        %dma_wait3A_83 = arith.constant 0 : i32
        %dma_wait3A_84 = tpu.memref_slice %arg12[%dma_wait3A_82, %dma_wait3A_83] : memref<10240x128xf32, #tpu.memory_space<vmem_shared>> -> memref<10240x128xf32, #tpu.memory_space<vmem_shared>>
        tpu.wait_indirect_dma semaphore(%run_scoped3A_72 : memref<!tpu.dma_semaphore, #tpu.memory_space<semaphore_mem>>) src(%arg9 : memref<125x128xf32, #tpu.memory_space<vmem>>) dst(%dma_wait3A_84 : memref<10240x128xf32, #tpu.memory_space<vmem_shared>>)
        tpu.yield
      }) : () -> ()
    }
    %scan3A_20 = arith.constant 2 : i32
    %barrier3A_21 = arith.constant 0 : index
    tpu.barrier barrier_id(%barrier3A_21)
    %scan3A_22 = arith.constant 0 : i32
    %scan3A_23 = arith.constant 10 : i32
    %scan3A_24 = arith.addi %scan3A_22, %scan3A_23 : i32
    %scan3A_25 = arith.constant 1 : i32
    scf.for %scan3A_32 = %scan3A_22 to %scan3A_24 step %scan3A_25  : i32 {
      %mul3A_33 = arith.constant 1 : i32
      %mul3A_34 = arith.muli %scan3A_32, %mul3A_33 : i32
      %add3A = arith.constant 0 : i32
      %add3A_35 = arith.addi %add3A, %mul3A_34 : i32
      %mul3A_36 = arith.constant 64 : i32
      %mul3A_37 = arith.muli %add3A_35, %mul3A_36 : i32
      %add3A_38 = arith.addi %mul3A_5, %mul3A_37 : i32
      %dma_start3A = arith.constant 0 : i32
      %dma_start3A_39 = tpu.memref_slice %arg5[%arg0, %add3A_38, %dma_start3A] : memref<2x10240x128xf32, #tpu.memory_space<hbm>> -> memref<1x64x128xf32, #tpu.memory_space<hbm>>
      %dma_start3A_40 = tpu.memref_squeeze %dma_start3A_39 : memref<1x64x128xf32, #tpu.memory_space<hbm>> -> memref<64x128xf32, #tpu.memory_space<hbm>>
      %dma_start3A_41 = arith.constant 0 : i32
      %dma_start3A_42 = tpu.memref_slice %arg12[%add3A_38, %dma_start3A_41] : memref<10240x128xf32, #tpu.memory_space<vmem_shared>> -> memref<64x128xf32, #tpu.memory_space<vmem_shared>>
      tpu.enqueue_dma source(%dma_start3A_42 : memref<64x128xf32, #tpu.memory_space<vmem_shared>>) target(%dma_start3A_40 : memref<64x128xf32, #tpu.memory_space<hbm>>) target_semaphore(%arg10 : memref<!tpu.dma_semaphore, #tpu.memory_space<semaphore_mem>>)
    }
    %scan3A_26 = arith.constant 10 : i32
    %scan3A_27 = arith.constant 0 : i32
    %scan3A_28 = arith.constant 10 : i32
    %scan3A_29 = arith.addi %scan3A_27, %scan3A_28 : i32
    %scan3A_30 = arith.constant 1 : i32
    scf.for %scan3A_32 = %scan3A_27 to %scan3A_29 step %scan3A_30  : i32 {
      %mul3A_33 = arith.constant 1 : i32
      %mul3A_34 = arith.muli %scan3A_32, %mul3A_33 : i32
      %add3A = arith.constant 0 : i32
      %add3A_35 = arith.addi %add3A, %mul3A_34 : i32
      %dma_wait3A = arith.constant 0 : i32
      %dma_wait3A_36 = tpu.memref_slice %arg5[%arg0, %mul3A_5, %dma_wait3A] : memref<2x10240x128xf32, #tpu.memory_space<hbm>> -> memref<1x64x128xf32, #tpu.memory_space<hbm>>
      %dma_wait3A_37 = tpu.memref_squeeze %dma_wait3A_36 : memref<1x64x128xf32, #tpu.memory_space<hbm>> -> memref<64x128xf32, #tpu.memory_space<hbm>>
      %dma_wait3A_38 = arith.constant 0 : i32
      %dma_wait3A_39 = tpu.memref_slice %arg12[%mul3A_5, %dma_wait3A_38] : memref<10240x128xf32, #tpu.memory_space<vmem_shared>> -> memref<64x128xf32, #tpu.memory_space<vmem_shared>>
      tpu.wait_dma2 semaphore(%arg10 : memref<!tpu.dma_semaphore, #tpu.memory_space<semaphore_mem>>) src(%dma_wait3A_39 : memref<64x128xf32, #tpu.memory_space<vmem_shared>>) dst(%dma_wait3A_37 : memref<64x128xf32, #tpu.memory_space<hbm>>)
    }
    %scan3A_31 = arith.constant 10 : i32
    return
  }
}

#map = affine_map<(d0, d1) -> (0, 0)>
#map1 = affine_map<(d0, d1) -> (0, 0, 0, 0)>
#map2 = affine_map<(d0, d1) -> (0, 0, 0)>
module attributes {stable_mosaic.version = 14 : i64} {
  func.func @_agg_body(%arg0: i32, %arg1: i32, %arg2: memref<10000x128xf32, #tpu.memory_space<hbm>>, %arg3: memref<2x16x80x125xi32, #tpu.memory_space<hbm>>, %arg4: memref<2x16x80x125xi32, #tpu.memory_space<hbm>>, %arg5: memref<2x10240x128xf32, #tpu.memory_space<hbm>>, %arg6: memref<40x125xi32, #tpu.memory_space<vmem>>, %arg7: memref<40x125xi32, #tpu.memory_space<vmem>>, %arg8: memref<125x128xf32, #tpu.memory_space<vmem>>, %arg9: memref<125x128xf32, #tpu.memory_space<vmem>>, %arg10: memref<!tpu.dma_semaphore, #tpu.memory_space<semaphore_mem>>, %arg11: memref<!tpu.dma_semaphore, #tpu.memory_space<semaphore_mem>>, %arg12: memref<10240x128xf32, #tpu.memory_space<vmem_shared>>) attributes {dimension_semantics = [#tpu.dimension_semantics<core_parallel>, #tpu.dimension_semantics<subcore_parallel>], iteration_bounds = array<i64: 2, 16>, scalar_prefetch = 0 : i64, scratch_operands = 7 : i64, tpu.core_type = #tpu.core_type<sc_vector_subcore>, window_params = [{transform_indices = #map}, {transform_indices = #map1}, {transform_indices = #map1}, {transform_indices = #map2}]} {
    %broadcast_in_dim3A = arith.constant 0.000000e+00 : f32
    %broadcast_in_dim3A_0 = vector.broadcast %broadcast_in_dim3A : f32 to vector<16xf32>
    %scan3A = arith.constant 0 : i32
    %scan3A_1 = arith.constant 64 : i32
    %scan3A_2 = arith.addi %scan3A, %scan3A_1 : i32
    %scan3A_3 = arith.constant 1 : i32
    scf.for %scan3A_32 = %scan3A to %scan3A_2 step %scan3A_3  : i32 {
      %mul3A_33 = arith.constant 1 : i32
      %mul3A_34 = arith.muli %scan3A_32, %mul3A_33 : i32
      %add3A = arith.constant 0 : i32
      %add3A_35 = arith.addi %add3A, %mul3A_34 : i32
      %scan3A_36 = arith.constant 0 : i32
      %scan3A_37 = arith.constant 8 : i32
      %scan3A_38 = arith.addi %scan3A_36, %scan3A_37 : i32
      %scan3A_39 = arith.constant 1 : i32
      scf.for %scan3A_41 = %scan3A_36 to %scan3A_38 step %scan3A_39  : i32 {
        %mul3A_42 = arith.constant 16 : i32
        %mul3A_43 = arith.muli %scan3A_41, %mul3A_42 : i32
        %add3A_44 = arith.constant 0 : i32
        %add3A_45 = arith.addi %add3A_44, %mul3A_43 : i32
        %swap3A = arith.index_cast %add3A_35 : i32 to index
        %swap3A_46 = arith.index_cast %add3A_45 : i32 to index
        %swap3A_47 = tpu.vector_load %arg8[%swap3A, %swap3A_46] {strides = array<i32>} : memref<125x128xf32, #tpu.memory_space<vmem>>, vector<1x16xf32>,
        %swap3A_48 = vector.shape_cast %swap3A_47 : vector<1x16xf32> to vector<16xf32>
        %swap3A_49 = vector.shape_cast %broadcast_in_dim3A_0 : vector<16xf32> to vector<1x16xf32>
        tpu.vector_store %arg8[%swap3A, %swap3A_46], %swap3A_49 {strides = array<i32>} : memref<125x128xf32, #tpu.memory_space<vmem>>, vector<1x16xf32>,
      }
      %scan3A_40 = arith.constant 8 : i32
    }
    %scan3A_4 = arith.constant 64 : i32
    %mul3A = arith.constant 640 : i32
    %mul3A_5 = arith.muli %arg1, %mul3A : i32
    %scan3A_6 = arith.constant 0 : i32
    %scan3A_7 = arith.constant 10 : i32
    %scan3A_8 = arith.addi %scan3A_6, %scan3A_7 : i32
    %scan3A_9 = arith.constant 1 : i32
    scf.for %scan3A_32 = %scan3A_6 to %scan3A_8 step %scan3A_9  : i32 {
      %mul3A_33 = arith.constant 1 : i32
      %mul3A_34 = arith.muli %scan3A_32, %mul3A_33 : i32
      %add3A = arith.constant 0 : i32
      %add3A_35 = arith.addi %add3A, %mul3A_34 : i32
      %mul3A_36 = arith.constant 64 : i32
      %mul3A_37 = arith.muli %add3A_35, %mul3A_36 : i32
      %add3A_38 = arith.addi %mul3A_5, %mul3A_37 : i32
      %dma_start3A = arith.constant 0 : i32
      %dma_start3A_39 = arith.constant 0 : i32
      %dma_start3A_40 = tpu.memref_slice %arg8[%dma_start3A, %dma_start3A_39] : memref<125x128xf32, #tpu.memory_space<vmem>> -> memref<64x128xf32, #tpu.memory_space<vmem>>
      %dma_start3A_41 = arith.constant 0 : i32
      %dma_start3A_42 = tpu.memref_slice %arg12[%add3A_38, %dma_start3A_41] : memref<10240x128xf32, #tpu.memory_space<vmem_shared>> -> memref<64x128xf32, #tpu.memory_space<vmem_shared>>
      %dma_start3A_43 = arith.constant 0 : i32
      %dma_start3A_44 = tpu.memref_slice %arg12[%add3A_38, %dma_start3A_43] : memref<10240x128xf32, #tpu.memory_space<vmem_shared>> -> memref<64x128xf32, #tpu.memory_space<vmem_shared>>
      %dma_start3A_45 = arith.constant 0 : i32
      %dma_start3A_46 = arith.constant 0 : i32
      %dma_start3A_47 = tpu.memref_slice %arg8[%dma_start3A_45, %dma_start3A_46] : memref<125x128xf32, #tpu.memory_space<vmem>> -> memref<64x128xf32, #tpu.memory_space<vmem>>
      tpu.enqueue_dma source(%dma_start3A_47 : memref<64x128xf32, #tpu.memory_space<vmem>>) target(%dma_start3A_44 : memref<64x128xf32, #tpu.memory_space<vmem_shared>>) target_semaphore(%arg10 : memref<!tpu.dma_semaphore, #tpu.memory_space<semaphore_mem>>)
    }
    %scan3A_10 = arith.constant 10 : i32
    %scan3A_11 = arith.constant 0 : i32
    %scan3A_12 = arith.constant 10 : i32
    %scan3A_13 = arith.addi %scan3A_11, %scan3A_12 : i32
    %scan3A_14 = arith.constant 1 : i32
    scf.for %scan3A_32 = %scan3A_11 to %scan3A_13 step %scan3A_14  : i32 {
      %mul3A_33 = arith.constant 1 : i32
      %mul3A_34 = arith.muli %scan3A_32, %mul3A_33 : i32
      %add3A = arith.constant 0 : i32
      %add3A_35 = arith.addi %add3A, %mul3A_34 : i32
      %dma_wait3A = arith.constant 0 : i32
      %dma_wait3A_36 = arith.constant 0 : i32
      %dma_wait3A_37 = tpu.memref_slice %arg8[%dma_wait3A, %dma_wait3A_36] : memref<125x128xf32, #tpu.memory_space<vmem>> -> memref<64x128xf32, #tpu.memory_space<vmem>>
      %dma_wait3A_38 = arith.constant 0 : i32
      %dma_wait3A_39 = tpu.memref_slice %arg12[%mul3A_5, %dma_wait3A_38] : memref<10240x128xf32, #tpu.memory_space<vmem_shared>> -> memref<64x128xf32, #tpu.memory_space<vmem_shared>>
      %dma_wait3A_40 = arith.constant 0 : i32
      %dma_wait3A_41 = tpu.memref_slice %arg12[%mul3A_5, %dma_wait3A_40] : memref<10240x128xf32, #tpu.memory_space<vmem_shared>> -> memref<64x128xf32, #tpu.memory_space<vmem_shared>>
      %dma_wait3A_42 = arith.constant 0 : i32
      %dma_wait3A_43 = arith.constant 0 : i32
      %dma_wait3A_44 = tpu.memref_slice %arg8[%dma_wait3A_42, %dma_wait3A_43] : memref<125x128xf32, #tpu.memory_space<vmem>> -> memref<64x128xf32, #tpu.memory_space<vmem>>
      tpu.wait_dma2 semaphore(%arg10 : memref<!tpu.dma_semaphore, #tpu.memory_space<semaphore_mem>>) src(%dma_wait3A_44 : memref<64x128xf32, #tpu.memory_space<vmem>>) dst(%dma_wait3A_41 : memref<64x128xf32, #tpu.memory_space<vmem_shared>>)
    }
    %scan3A_15 = arith.constant 10 : i32
    %barrier3A = arith.constant 0 : index
    tpu.barrier barrier_id(%barrier3A)
    %scan3A_16 = arith.constant 0 : i32
    %scan3A_17 = arith.constant 2 : i32
    %scan3A_18 = arith.addi %scan3A_16, %scan3A_17 : i32
    %scan3A_19 = arith.constant 1 : i32
    scf.for %scan3A_32 = %scan3A_16 to %scan3A_18 step %scan3A_19  : i32 {
      %mul3A_33 = arith.constant 1 : i32
      %mul3A_34 = arith.muli %scan3A_32, %mul3A_33 : i32
      %add3A = arith.constant 0 : i32
      %add3A_35 = arith.addi %add3A, %mul3A_34 : i32
      %mul3A_36 = arith.constant 40 : i32
      %mul3A_37 = arith.muli %add3A_35, %mul3A_36 : i32
      "tpu.region"() ({
        %run_scoped3A_72 = tpu.sem_alloc : memref<!tpu.dma_semaphore, #tpu.memory_space<semaphore_mem>>
        %dma_start3A_73 = arith.constant 0 : i32
        %dma_start3A_74 = tpu.memref_slice %arg3[%arg0, %arg1, %mul3A_37, %dma_start3A_73] : memref<2x16x80x125xi32, #tpu.memory_space<hbm>> -> memref<1x1x40x125xi32, #tpu.memory_space<hbm>>
        %dma_start3A_75 = tpu.memref_squeeze %dma_start3A_74 : memref<1x1x40x125xi32, #tpu.memory_space<hbm>> -> memref<40x125xi32, #tpu.memory_space<hbm>>
        %dma_start3A_76 = arith.constant 0 : i32
        %dma_start3A_77 = tpu.memref_slice %arg3[%arg0, %arg1, %mul3A_37, %dma_start3A_76] : memref<2x16x80x125xi32, #tpu.memory_space<hbm>> -> memref<1x1x40x125xi32, #tpu.memory_space<hbm>>
        %dma_start3A_78 = tpu.memref_squeeze %dma_start3A_77 : memref<1x1x40x125xi32, #tpu.memory_space<hbm>> -> memref<40x125xi32, #tpu.memory_space<hbm>>
        tpu.enqueue_dma source(%dma_start3A_78 : memref<40x125xi32, #tpu.memory_space<hbm>>) target(%arg6 : memref<40x125xi32, #tpu.memory_space<vmem>>) target_semaphore(%run_scoped3A_72 : memref<!tpu.dma_semaphore, #tpu.memory_space<semaphore_mem>>)
        %dma_wait3A_79 = arith.constant 0 : i32
        %dma_wait3A_80 = tpu.memref_slice %arg3[%arg0, %arg1, %mul3A_37, %dma_wait3A_79] : memref<2x16x80x125xi32, #tpu.memory_space<hbm>> -> memref<1x1x40x125xi32, #tpu.memory_space<hbm>>
        %dma_wait3A_81 = tpu.memref_squeeze %dma_wait3A_80 : memref<1x1x40x125xi32, #tpu.memory_space<hbm>> -> memref<40x125xi32, #tpu.memory_space<hbm>>
        %dma_wait3A_82 = arith.constant 0 : i32
        %dma_wait3A_83 = tpu.memref_slice %arg3[%arg0, %arg1, %mul3A_37, %dma_wait3A_82] : memref<2x16x80x125xi32, #tpu.memory_space<hbm>> -> memref<1x1x40x125xi32, #tpu.memory_space<hbm>>
        %dma_wait3A_84 = tpu.memref_squeeze %dma_wait3A_83 : memref<1x1x40x125xi32, #tpu.memory_space<hbm>> -> memref<40x125xi32, #tpu.memory_space<hbm>>
        tpu.wait_dma2 semaphore(%run_scoped3A_72 : memref<!tpu.dma_semaphore, #tpu.memory_space<semaphore_mem>>) src(%dma_wait3A_84 : memref<40x125xi32, #tpu.memory_space<hbm>>) dst(%arg6 : memref<40x125xi32, #tpu.memory_space<vmem>>)
        tpu.yield
      }) : () -> ()
      %mul3A_38 = arith.constant 40 : i32
      %mul3A_39 = arith.muli %add3A_35, %mul3A_38 : i32
      "tpu.region"() ({
        %run_scoped3A_72 = tpu.sem_alloc : memref<!tpu.dma_semaphore, #tpu.memory_space<semaphore_mem>>
        %dma_start3A_73 = arith.constant 0 : i32
        %dma_start3A_74 = tpu.memref_slice %arg4[%arg0, %arg1, %mul3A_39, %dma_start3A_73] : memref<2x16x80x125xi32, #tpu.memory_space<hbm>> -> memref<1x1x40x125xi32, #tpu.memory_space<hbm>>
        %dma_start3A_75 = tpu.memref_squeeze %dma_start3A_74 : memref<1x1x40x125xi32, #tpu.memory_space<hbm>> -> memref<40x125xi32, #tpu.memory_space<hbm>>
        %dma_start3A_76 = arith.constant 0 : i32
        %dma_start3A_77 = tpu.memref_slice %arg4[%arg0, %arg1, %mul3A_39, %dma_start3A_76] : memref<2x16x80x125xi32, #tpu.memory_space<hbm>> -> memref<1x1x40x125xi32, #tpu.memory_space<hbm>>
        %dma_start3A_78 = tpu.memref_squeeze %dma_start3A_77 : memref<1x1x40x125xi32, #tpu.memory_space<hbm>> -> memref<40x125xi32, #tpu.memory_space<hbm>>
        tpu.enqueue_dma source(%dma_start3A_78 : memref<40x125xi32, #tpu.memory_space<hbm>>) target(%arg7 : memref<40x125xi32, #tpu.memory_space<vmem>>) target_semaphore(%run_scoped3A_72 : memref<!tpu.dma_semaphore, #tpu.memory_space<semaphore_mem>>)
        %dma_wait3A_79 = arith.constant 0 : i32
        %dma_wait3A_80 = tpu.memref_slice %arg4[%arg0, %arg1, %mul3A_39, %dma_wait3A_79] : memref<2x16x80x125xi32, #tpu.memory_space<hbm>> -> memref<1x1x40x125xi32, #tpu.memory_space<hbm>>
        %dma_wait3A_81 = tpu.memref_squeeze %dma_wait3A_80 : memref<1x1x40x125xi32, #tpu.memory_space<hbm>> -> memref<40x125xi32, #tpu.memory_space<hbm>>
        %dma_wait3A_82 = arith.constant 0 : i32
        %dma_wait3A_83 = tpu.memref_slice %arg4[%arg0, %arg1, %mul3A_39, %dma_wait3A_82] : memref<2x16x80x125xi32, #tpu.memory_space<hbm>> -> memref<1x1x40x125xi32, #tpu.memory_space<hbm>>
        %dma_wait3A_84 = tpu.memref_squeeze %dma_wait3A_83 : memref<1x1x40x125xi32, #tpu.memory_space<hbm>> -> memref<40x125xi32, #tpu.memory_space<hbm>>
        tpu.wait_dma2 semaphore(%run_scoped3A_72 : memref<!tpu.dma_semaphore, #tpu.memory_space<semaphore_mem>>) src(%dma_wait3A_84 : memref<40x125xi32, #tpu.memory_space<hbm>>) dst(%arg7 : memref<40x125xi32, #tpu.memory_space<vmem>>)
        tpu.yield
      }) : () -> ()
      %dma_start3A = arith.constant 0 : i32
      %dma_start3A_40 = arith.constant 0 : i32
      %dma_start3A_41 = tpu.memref_slice %arg6[%dma_start3A, %dma_start3A_40] : memref<40x125xi32, #tpu.memory_space<vmem>> -> memref<1x125xi32, #tpu.memory_space<vmem>>
      %dma_start3A_42 = tpu.memref_squeeze %dma_start3A_41 : memref<1x125xi32, #tpu.memory_space<vmem>> -> memref<125xi32, #tpu.memory_space<vmem>>
      %dma_start3A_43 = arith.constant 0 : i32
      %dma_start3A_44 = arith.constant 0 : i32
      %dma_start3A_45 = tpu.memref_slice %arg2[%dma_start3A_43, %dma_start3A_44] : memref<10000x128xf32, #tpu.memory_space<hbm>> -> memref<10000x128xf32, #tpu.memory_space<hbm>>
      tpu.enqueue_indirect_dma source(%dma_start3A_45 : memref<10000x128xf32, #tpu.memory_space<hbm>>) target(%arg8 : memref<125x128xf32, #tpu.memory_space<vmem>>) offsets(%dma_start3A_42 : memref<125xi32, #tpu.memory_space<vmem>>) semaphore(%arg10 : memref<!tpu.dma_semaphore, #tpu.memory_space<semaphore_mem>>)
      %dma_start3A_46 = arith.constant 1 : i32
      %dma_start3A_47 = arith.constant 0 : i32
      %dma_start3A_48 = tpu.memref_slice %arg6[%dma_start3A_46, %dma_start3A_47] : memref<40x125xi32, #tpu.memory_space<vmem>> -> memref<1x125xi32, #tpu.memory_space<vmem>>
      %dma_start3A_49 = tpu.memref_squeeze %dma_start3A_48 : memref<1x125xi32, #tpu.memory_space<vmem>> -> memref<125xi32, #tpu.memory_space<vmem>>
      %dma_start3A_50 = arith.constant 0 : i32
      %dma_start3A_51 = arith.constant 0 : i32
      %dma_start3A_52 = tpu.memref_slice %arg2[%dma_start3A_50, %dma_start3A_51] : memref<10000x128xf32, #tpu.memory_space<hbm>> -> memref<10000x128xf32, #tpu.memory_space<hbm>>
      tpu.enqueue_indirect_dma source(%dma_start3A_52 : memref<10000x128xf32, #tpu.memory_space<hbm>>) target(%arg9 : memref<125x128xf32, #tpu.memory_space<vmem>>) offsets(%dma_start3A_49 : memref<125xi32, #tpu.memory_space<vmem>>) semaphore(%arg11 : memref<!tpu.dma_semaphore, #tpu.memory_space<semaphore_mem>>)
      %scan3A_53 = arith.constant 0 : i32
      %scan3A_54 = arith.constant 19 : i32
      %scan3A_55 = arith.addi %scan3A_53, %scan3A_54 : i32
      %scan3A_56 = arith.constant 1 : i32
      scf.for %scan3A_72 = %scan3A_53 to %scan3A_55 step %scan3A_56  : i32 {
        %mul3A_73 = arith.constant 2 : i32
        %mul3A_74 = arith.muli %scan3A_72, %mul3A_73 : i32
        %add3A_75 = arith.constant 0 : i32
        %add3A_76 = arith.addi %add3A_75, %mul3A_74 : i32
        %dma_wait3A_77 = arith.constant 0 : i32
        %dma_wait3A_78 = arith.constant 0 : i32
        %dma_wait3A_79 = tpu.memref_slice %arg6[%dma_wait3A_77, %dma_wait3A_78] : memref<40x125xi32, #tpu.memory_space<vmem>> -> memref<1x125xi32, #tpu.memory_space<vmem>>
        %dma_wait3A_80 = tpu.memref_squeeze %dma_wait3A_79 : memref<1x125xi32, #tpu.memory_space<vmem>> -> memref<125xi32, #tpu.memory_space<vmem>>
        %dma_wait3A_81 = arith.constant 0 : i32
        %dma_wait3A_82 = arith.constant 0 : i32
        %dma_wait3A_83 = tpu.memref_slice %arg2[%dma_wait3A_81, %dma_wait3A_82] : memref<10000x128xf32, #tpu.memory_space<hbm>> -> memref<10000x128xf32, #tpu.memory_space<hbm>>
        tpu.wait_indirect_dma semaphore(%arg10 : memref<!tpu.dma_semaphore, #tpu.memory_space<semaphore_mem>>) src(%dma_wait3A_83 : memref<10000x128xf32, #tpu.memory_space<hbm>>) dst(%arg8 : memref<125x128xf32, #tpu.memory_space<vmem>>)
        "tpu.region"() ({
          %run_scoped3A_109 = tpu.sem_alloc : memref<!tpu.dma_semaphore, #tpu.memory_space<semaphore_mem>>
          %dma_start3A_110 = arith.constant 0 : i32
          %dma_start3A_111 = tpu.memref_slice %arg7[%add3A_76, %dma_start3A_110] : memref<40x125xi32, #tpu.memory_space<vmem>> -> memref<1x125xi32, #tpu.memory_space<vmem>>
          %dma_start3A_112 = tpu.memref_squeeze %dma_start3A_111 : memref<1x125xi32, #tpu.memory_space<vmem>> -> memref<125xi32, #tpu.memory_space<vmem>>
          %dma_start3A_113 = arith.constant 0 : i32
          %dma_start3A_114 = arith.constant 0 : i32
          %dma_start3A_115 = tpu.memref_slice %arg12[%dma_start3A_113, %dma_start3A_114] : memref<10240x128xf32, #tpu.memory_space<vmem_shared>> -> memref<10240x128xf32, #tpu.memory_space<vmem_shared>>
          tpu.enqueue_indirect_dma source(%arg8 : memref<125x128xf32, #tpu.memory_space<vmem>>) target(%dma_start3A_115 : memref<10240x128xf32, #tpu.memory_space<vmem_shared>>) offsets(%dma_start3A_112 : memref<125xi32, #tpu.memory_space<vmem>>) semaphore(%run_scoped3A_109 : memref<!tpu.dma_semaphore, #tpu.memory_space<semaphore_mem>>) {add = true}
          %dma_wait3A_116 = arith.constant 0 : i32
          %dma_wait3A_117 = tpu.memref_slice %arg7[%add3A_76, %dma_wait3A_116] : memref<40x125xi32, #tpu.memory_space<vmem>> -> memref<1x125xi32, #tpu.memory_space<vmem>>
          %dma_wait3A_118 = tpu.memref_squeeze %dma_wait3A_117 : memref<1x125xi32, #tpu.memory_space<vmem>> -> memref<125xi32, #tpu.memory_space<vmem>>
          %dma_wait3A_119 = arith.constant 0 : i32
          %dma_wait3A_120 = arith.constant 0 : i32
          %dma_wait3A_121 = tpu.memref_slice %arg12[%dma_wait3A_119, %dma_wait3A_120] : memref<10240x128xf32, #tpu.memory_space<vmem_shared>> -> memref<10240x128xf32, #tpu.memory_space<vmem_shared>>
          tpu.wait_indirect_dma semaphore(%run_scoped3A_109 : memref<!tpu.dma_semaphore, #tpu.memory_space<semaphore_mem>>) src(%arg8 : memref<125x128xf32, #tpu.memory_space<vmem>>) dst(%dma_wait3A_121 : memref<10240x128xf32, #tpu.memory_space<vmem_shared>>)
          tpu.yield
        }) : () -> ()
        %add3A_84 = arith.constant 2 : i32
        %add3A_85 = arith.addi %add3A_76, %add3A_84 : i32
        %dma_start3A_86 = arith.constant 0 : i32
        %dma_start3A_87 = tpu.memref_slice %arg6[%add3A_85, %dma_start3A_86] : memref<40x125xi32, #tpu.memory_space<vmem>> -> memref<1x125xi32, #tpu.memory_space<vmem>>
        %dma_start3A_88 = tpu.memref_squeeze %dma_start3A_87 : memref<1x125xi32, #tpu.memory_space<vmem>> -> memref<125xi32, #tpu.memory_space<vmem>>
        %dma_start3A_89 = arith.constant 0 : i32
        %dma_start3A_90 = arith.constant 0 : i32
        %dma_start3A_91 = tpu.memref_slice %arg2[%dma_start3A_89, %dma_start3A_90] : memref<10000x128xf32, #tpu.memory_space<hbm>> -> memref<10000x128xf32, #tpu.memory_space<hbm>>
        tpu.enqueue_indirect_dma source(%dma_start3A_91 : memref<10000x128xf32, #tpu.memory_space<hbm>>) target(%arg8 : memref<125x128xf32, #tpu.memory_space<vmem>>) offsets(%dma_start3A_88 : memref<125xi32, #tpu.memory_space<vmem>>) semaphore(%arg10 : memref<!tpu.dma_semaphore, #tpu.memory_space<semaphore_mem>>)
        %dma_wait3A_92 = arith.constant 0 : i32
        %dma_wait3A_93 = arith.constant 0 : i32
        %dma_wait3A_94 = tpu.memref_slice %arg6[%dma_wait3A_92, %dma_wait3A_93] : memref<40x125xi32, #tpu.memory_space<vmem>> -> memref<1x125xi32, #tpu.memory_space<vmem>>
        %dma_wait3A_95 = tpu.memref_squeeze %dma_wait3A_94 : memref<1x125xi32, #tpu.memory_space<vmem>> -> memref<125xi32, #tpu.memory_space<vmem>>
        %dma_wait3A_96 = arith.constant 0 : i32
        %dma_wait3A_97 = arith.constant 0 : i32
        %dma_wait3A_98 = tpu.memref_slice %arg2[%dma_wait3A_96, %dma_wait3A_97] : memref<10000x128xf32, #tpu.memory_space<hbm>> -> memref<10000x128xf32, #tpu.memory_space<hbm>>
        tpu.wait_indirect_dma semaphore(%arg11 : memref<!tpu.dma_semaphore, #tpu.memory_space<semaphore_mem>>) src(%dma_wait3A_98 : memref<10000x128xf32, #tpu.memory_space<hbm>>) dst(%arg9 : memref<125x128xf32, #tpu.memory_space<vmem>>)
        %add3A_99 = arith.constant 1 : i32
        %add3A_100 = arith.addi %add3A_76, %add3A_99 : i32
        "tpu.region"() ({
          %run_scoped3A_109 = tpu.sem_alloc : memref<!tpu.dma_semaphore, #tpu.memory_space<semaphore_mem>>
          %dma_start3A_110 = arith.constant 0 : i32
          %dma_start3A_111 = tpu.memref_slice %arg7[%add3A_100, %dma_start3A_110] : memref<40x125xi32, #tpu.memory_space<vmem>> -> memref<1x125xi32, #tpu.memory_space<vmem>>
          %dma_start3A_112 = tpu.memref_squeeze %dma_start3A_111 : memref<1x125xi32, #tpu.memory_space<vmem>> -> memref<125xi32, #tpu.memory_space<vmem>>
          %dma_start3A_113 = arith.constant 0 : i32
          %dma_start3A_114 = arith.constant 0 : i32
          %dma_start3A_115 = tpu.memref_slice %arg12[%dma_start3A_113, %dma_start3A_114] : memref<10240x128xf32, #tpu.memory_space<vmem_shared>> -> memref<10240x128xf32, #tpu.memory_space<vmem_shared>>
          tpu.enqueue_indirect_dma source(%arg9 : memref<125x128xf32, #tpu.memory_space<vmem>>) target(%dma_start3A_115 : memref<10240x128xf32, #tpu.memory_space<vmem_shared>>) offsets(%dma_start3A_112 : memref<125xi32, #tpu.memory_space<vmem>>) semaphore(%run_scoped3A_109 : memref<!tpu.dma_semaphore, #tpu.memory_space<semaphore_mem>>) {add = true}
          %dma_wait3A_116 = arith.constant 0 : i32
          %dma_wait3A_117 = tpu.memref_slice %arg7[%add3A_100, %dma_wait3A_116] : memref<40x125xi32, #tpu.memory_space<vmem>> -> memref<1x125xi32, #tpu.memory_space<vmem>>
          %dma_wait3A_118 = tpu.memref_squeeze %dma_wait3A_117 : memref<1x125xi32, #tpu.memory_space<vmem>> -> memref<125xi32, #tpu.memory_space<vmem>>
          %dma_wait3A_119 = arith.constant 0 : i32
          %dma_wait3A_120 = arith.constant 0 : i32
          %dma_wait3A_121 = tpu.memref_slice %arg12[%dma_wait3A_119, %dma_wait3A_120] : memref<10240x128xf32, #tpu.memory_space<vmem_shared>> -> memref<10240x128xf32, #tpu.memory_space<vmem_shared>>
          tpu.wait_indirect_dma semaphore(%run_scoped3A_109 : memref<!tpu.dma_semaphore, #tpu.memory_space<semaphore_mem>>) src(%arg9 : memref<125x128xf32, #tpu.memory_space<vmem>>) dst(%dma_wait3A_121 : memref<10240x128xf32, #tpu.memory_space<vmem_shared>>)
          tpu.yield
        }) : () -> ()
        %add3A_101 = arith.constant 3 : i32
        %add3A_102 = arith.addi %add3A_76, %add3A_101 : i32
        %dma_start3A_103 = arith.constant 0 : i32
        %dma_start3A_104 = tpu.memref_slice %arg6[%add3A_102, %dma_start3A_103] : memref<40x125xi32, #tpu.memory_space<vmem>> -> memref<1x125xi32, #tpu.memory_space<vmem>>
        %dma_start3A_105 = tpu.memref_squeeze %dma_start3A_104 : memref<1x125xi32, #tpu.memory_space<vmem>> -> memref<125xi32, #tpu.memory_space<vmem>>
        %dma_start3A_106 = arith.constant 0 : i32
        %dma_start3A_107 = arith.constant 0 : i32
        %dma_start3A_108 = tpu.memref_slice %arg2[%dma_start3A_106, %dma_start3A_107] : memref<10000x128xf32, #tpu.memory_space<hbm>> -> memref<10000x128xf32, #tpu.memory_space<hbm>>
        tpu.enqueue_indirect_dma source(%dma_start3A_108 : memref<10000x128xf32, #tpu.memory_space<hbm>>) target(%arg9 : memref<125x128xf32, #tpu.memory_space<vmem>>) offsets(%dma_start3A_105 : memref<125xi32, #tpu.memory_space<vmem>>) semaphore(%arg11 : memref<!tpu.dma_semaphore, #tpu.memory_space<semaphore_mem>>)
      }
      %scan3A_57 = arith.constant 19 : i32
      %dma_wait3A = arith.constant 0 : i32
      %dma_wait3A_58 = arith.constant 0 : i32
      %dma_wait3A_59 = tpu.memref_slice %arg6[%dma_wait3A, %dma_wait3A_58] : memref<40x125xi32, #tpu.memory_space<vmem>> -> memref<1x125xi32, #tpu.memory_space<vmem>>
      %dma_wait3A_60 = tpu.memref_squeeze %dma_wait3A_59 : memref<1x125xi32, #tpu.memory_space<vmem>> -> memref<125xi32, #tpu.memory_space<vmem>>
      %dma_wait3A_61 = arith.constant 0 : i32
      %dma_wait3A_62 = arith.constant 0 : i32
      %dma_wait3A_63 = tpu.memref_slice %arg2[%dma_wait3A_61, %dma_wait3A_62] : memref<10000x128xf32, #tpu.memory_space<hbm>> -> memref<10000x128xf32, #tpu.memory_space<hbm>>
      tpu.wait_indirect_dma semaphore(%arg10 : memref<!tpu.dma_semaphore, #tpu.memory_space<semaphore_mem>>) src(%dma_wait3A_63 : memref<10000x128xf32, #tpu.memory_space<hbm>>) dst(%arg8 : memref<125x128xf32, #tpu.memory_space<vmem>>)
      %run_scoped3A = arith.constant 38 : i32
      "tpu.region"() ({
        %run_scoped3A_72 = tpu.sem_alloc : memref<!tpu.dma_semaphore, #tpu.memory_space<semaphore_mem>>
        %dma_start3A_73 = arith.constant 0 : i32
        %dma_start3A_74 = tpu.memref_slice %arg7[%run_scoped3A, %dma_start3A_73] : memref<40x125xi32, #tpu.memory_space<vmem>> -> memref<1x125xi32, #tpu.memory_space<vmem>>
        %dma_start3A_75 = tpu.memref_squeeze %dma_start3A_74 : memref<1x125xi32, #tpu.memory_space<vmem>> -> memref<125xi32, #tpu.memory_space<vmem>>
        %dma_start3A_76 = arith.constant 0 : i32
        %dma_start3A_77 = arith.constant 0 : i32
        %dma_start3A_78 = tpu.memref_slice %arg12[%dma_start3A_76, %dma_start3A_77] : memref<10240x128xf32, #tpu.memory_space<vmem_shared>> -> memref<10240x128xf32, #tpu.memory_space<vmem_shared>>
        tpu.enqueue_indirect_dma source(%arg8 : memref<125x128xf32, #tpu.memory_space<vmem>>) target(%dma_start3A_78 : memref<10240x128xf32, #tpu.memory_space<vmem_shared>>) offsets(%dma_start3A_75 : memref<125xi32, #tpu.memory_space<vmem>>) semaphore(%run_scoped3A_72 : memref<!tpu.dma_semaphore, #tpu.memory_space<semaphore_mem>>) {add = true}
        %dma_wait3A_79 = arith.constant 0 : i32
        %dma_wait3A_80 = tpu.memref_slice %arg7[%run_scoped3A, %dma_wait3A_79] : memref<40x125xi32, #tpu.memory_space<vmem>> -> memref<1x125xi32, #tpu.memory_space<vmem>>
        %dma_wait3A_81 = tpu.memref_squeeze %dma_wait3A_80 : memref<1x125xi32, #tpu.memory_space<vmem>> -> memref<125xi32, #tpu.memory_space<vmem>>
        %dma_wait3A_82 = arith.constant 0 : i32
        %dma_wait3A_83 = arith.constant 0 : i32
        %dma_wait3A_84 = tpu.memref_slice %arg12[%dma_wait3A_82, %dma_wait3A_83] : memref<10240x128xf32, #tpu.memory_space<vmem_shared>> -> memref<10240x128xf32, #tpu.memory_space<vmem_shared>>
        tpu.wait_indirect_dma semaphore(%run_scoped3A_72 : memref<!tpu.dma_semaphore, #tpu.memory_space<semaphore_mem>>) src(%arg8 : memref<125x128xf32, #tpu.memory_space<vmem>>) dst(%dma_wait3A_84 : memref<10240x128xf32, #tpu.memory_space<vmem_shared>>)
        tpu.yield
      }) : () -> ()
      %dma_wait3A_64 = arith.constant 0 : i32
      %dma_wait3A_65 = arith.constant 0 : i32
      %dma_wait3A_66 = tpu.memref_slice %arg6[%dma_wait3A_64, %dma_wait3A_65] : memref<40x125xi32, #tpu.memory_space<vmem>> -> memref<1x125xi32, #tpu.memory_space<vmem>>
      %dma_wait3A_67 = tpu.memref_squeeze %dma_wait3A_66 : memref<1x125xi32, #tpu.memory_space<vmem>> -> memref<125xi32, #tpu.memory_space<vmem>>
      %dma_wait3A_68 = arith.constant 0 : i32
      %dma_wait3A_69 = arith.constant 0 : i32
      %dma_wait3A_70 = tpu.memref_slice %arg2[%dma_wait3A_68, %dma_wait3A_69] : memref<10000x128xf32, #tpu.memory_space<hbm>> -> memref<10000x128xf32, #tpu.memory_space<hbm>>
      tpu.wait_indirect_dma semaphore(%arg11 : memref<!tpu.dma_semaphore, #tpu.memory_space<semaphore_mem>>) src(%dma_wait3A_70 : memref<10000x128xf32, #tpu.memory_space<hbm>>) dst(%arg9 : memref<125x128xf32, #tpu.memory_space<vmem>>)
      %run_scoped3A_71 = arith.constant 39 : i32
      "tpu.region"() ({
        %run_scoped3A_72 = tpu.sem_alloc : memref<!tpu.dma_semaphore, #tpu.memory_space<semaphore_mem>>
        %dma_start3A_73 = arith.constant 0 : i32
        %dma_start3A_74 = tpu.memref_slice %arg7[%run_scoped3A_71, %dma_start3A_73] : memref<40x125xi32, #tpu.memory_space<vmem>> -> memref<1x125xi32, #tpu.memory_space<vmem>>
        %dma_start3A_75 = tpu.memref_squeeze %dma_start3A_74 : memref<1x125xi32, #tpu.memory_space<vmem>> -> memref<125xi32, #tpu.memory_space<vmem>>
        %dma_start3A_76 = arith.constant 0 : i32
        %dma_start3A_77 = arith.constant 0 : i32
        %dma_start3A_78 = tpu.memref_slice %arg12[%dma_start3A_76, %dma_start3A_77] : memref<10240x128xf32, #tpu.memory_space<vmem_shared>> -> memref<10240x128xf32, #tpu.memory_space<vmem_shared>>
        tpu.enqueue_indirect_dma source(%arg9 : memref<125x128xf32, #tpu.memory_space<vmem>>) target(%dma_start3A_78 : memref<10240x128xf32, #tpu.memory_space<vmem_shared>>) offsets(%dma_start3A_75 : memref<125xi32, #tpu.memory_space<vmem>>) semaphore(%run_scoped3A_72 : memref<!tpu.dma_semaphore, #tpu.memory_space<semaphore_mem>>) {add = true}
        %dma_wait3A_79 = arith.constant 0 : i32
        %dma_wait3A_80 = tpu.memref_slice %arg7[%run_scoped3A_71, %dma_wait3A_79] : memref<40x125xi32, #tpu.memory_space<vmem>> -> memref<1x125xi32, #tpu.memory_space<vmem>>
        %dma_wait3A_81 = tpu.memref_squeeze %dma_wait3A_80 : memref<1x125xi32, #tpu.memory_space<vmem>> -> memref<125xi32, #tpu.memory_space<vmem>>
        %dma_wait3A_82 = arith.constant 0 : i32
        %dma_wait3A_83 = arith.constant 0 : i32
        %dma_wait3A_84 = tpu.memref_slice %arg12[%dma_wait3A_82, %dma_wait3A_83] : memref<10240x128xf32, #tpu.memory_space<vmem_shared>> -> memref<10240x128xf32, #tpu.memory_space<vmem_shared>>
        tpu.wait_indirect_dma semaphore(%run_scoped3A_72 : memref<!tpu.dma_semaphore, #tpu.memory_space<semaphore_mem>>) src(%arg9 : memref<125x128xf32, #tpu.memory_space<vmem>>) dst(%dma_wait3A_84 : memref<10240x128xf32, #tpu.memory_space<vmem_shared>>)
        tpu.yield
      }) : () -> ()
    }
    %scan3A_20 = arith.constant 2 : i32
    %barrier3A_21 = arith.constant 0 : index
    tpu.barrier barrier_id(%barrier3A_21)
    %scan3A_22 = arith.constant 0 : i32
    %scan3A_23 = arith.constant 10 : i32
    %scan3A_24 = arith.addi %scan3A_22, %scan3A_23 : i32
    %scan3A_25 = arith.constant 1 : i32
    scf.for %scan3A_32 = %scan3A_22 to %scan3A_24 step %scan3A_25  : i32 {
      %mul3A_33 = arith.constant 1 : i32
      %mul3A_34 = arith.muli %scan3A_32, %mul3A_33 : i32
      %add3A = arith.constant 0 : i32
      %add3A_35 = arith.addi %add3A, %mul3A_34 : i32
      %mul3A_36 = arith.constant 64 : i32
      %mul3A_37 = arith.muli %add3A_35, %mul3A_36 : i32
      %add3A_38 = arith.addi %mul3A_5, %mul3A_37 : i32
      %dma_start3A = arith.constant 0 : i32
      %dma_start3A_39 = tpu.memref_slice %arg5[%arg0, %add3A_38, %dma_start3A] : memref<2x10240x128xf32, #tpu.memory_space<hbm>> -> memref<1x64x128xf32, #tpu.memory_space<hbm>>
      %dma_start3A_40 = tpu.memref_squeeze %dma_start3A_39 : memref<1x64x128xf32, #tpu.memory_space<hbm>> -> memref<64x128xf32, #tpu.memory_space<hbm>>
      %dma_start3A_41 = arith.constant 0 : i32
      %dma_start3A_42 = tpu.memref_slice %arg12[%add3A_38, %dma_start3A_41] : memref<10240x128xf32, #tpu.memory_space<vmem_shared>> -> memref<64x128xf32, #tpu.memory_space<vmem_shared>>
      tpu.enqueue_dma source(%dma_start3A_42 : memref<64x128xf32, #tpu.memory_space<vmem_shared>>) target(%dma_start3A_40 : memref<64x128xf32, #tpu.memory_space<hbm>>) target_semaphore(%arg10 : memref<!tpu.dma_semaphore, #tpu.memory_space<semaphore_mem>>)
    }
    %scan3A_26 = arith.constant 10 : i32
    %scan3A_27 = arith.constant 0 : i32
    %scan3A_28 = arith.constant 10 : i32
    %scan3A_29 = arith.addi %scan3A_27, %scan3A_28 : i32
    %scan3A_30 = arith.constant 1 : i32
    scf.for %scan3A_32 = %scan3A_27 to %scan3A_29 step %scan3A_30  : i32 {
      %mul3A_33 = arith.constant 1 : i32
      %mul3A_34 = arith.muli %scan3A_32, %mul3A_33 : i32
      %add3A = arith.constant 0 : i32
      %add3A_35 = arith.addi %add3A, %mul3A_34 : i32
      %dma_wait3A = arith.constant 0 : i32
      %dma_wait3A_36 = tpu.memref_slice %arg5[%arg0, %mul3A_5, %dma_wait3A] : memref<2x10240x128xf32, #tpu.memory_space<hbm>> -> memref<1x64x128xf32, #tpu.memory_space<hbm>>
      %dma_wait3A_37 = tpu.memref_squeeze %dma_wait3A_36 : memref<1x64x128xf32, #tpu.memory_space<hbm>> -> memref<64x128xf32, #tpu.memory_space<hbm>>
      %dma_wait3A_38 = arith.constant 0 : i32
      %dma_wait3A_39 = tpu.memref_slice %arg12[%mul3A_5, %dma_wait3A_38] : memref<10240x128xf32, #tpu.memory_space<vmem_shared>> -> memref<64x128xf32, #tpu.memory_space<vmem_shared>>
      tpu.wait_dma2 semaphore(%arg10 : memref<!tpu.dma_semaphore, #tpu.memory_space<semaphore_mem>>) src(%dma_wait3A_39 : memref<64x128xf32, #tpu.memory_space<vmem_shared>>) dst(%dma_wait3A_37 : memref<64x128xf32, #tpu.memory_space<hbm>>)
    }
    %scan3A_31 = arith.constant 10 : i32
    return
  }
}

module attributes {stable_mosaic.version = 14 : i64} {
  func.func @body(%arg0: i32, %arg1: memref<1000x128xf32, #tpu.memory_space<vmem>>, %arg2: memref<2x1000x128xf32, #tpu.memory_space<vmem>>, %arg3: memref<2x1000x128xf32, #tpu.memory_space<vmem>>, %arg4: memref<128x128xf32, #tpu.memory_space<vmem>>, %arg5: memref<128x128xf32, #tpu.memory_space<vmem>>, %arg6: memref<128x128xf32, #tpu.memory_space<vmem>>, %arg7: memref<128x128xf32, #tpu.memory_space<vmem>>, %arg8: memref<1x128xf32, #tpu.memory_space<vmem>>, %arg9: memref<1x128xf32, #tpu.memory_space<vmem>>, %arg10: memref<1000x128xf32, #tpu.memory_space<vmem>>) attributes {dimension_semantics = [#tpu.dimension_semantics<arbitrary>], iteration_bounds = array<i64: 10>, scalar_prefetch = 0 : i64, scratch_operands = 0 : i64, tpu.core_type = #tpu.core_type<tc>, window_params = [{transform_indices = @transform_0, window_bounds = array<i64: 1000, 128>}, {transform_indices = @transform_1, window_bounds = array<i64: 2, 1000, 128>}, {transform_indices = @transform_2, window_bounds = array<i64: 2, 1000, 128>}, {pipeline_mode = #tpu.pipeline_mode<synchronous>, transform_indices = @transform_3, window_bounds = array<i64: 128, 128>}, {pipeline_mode = #tpu.pipeline_mode<synchronous>, transform_indices = @transform_4, window_bounds = array<i64: 128, 128>}, {pipeline_mode = #tpu.pipeline_mode<synchronous>, transform_indices = @transform_5, window_bounds = array<i64: 128, 128>}, {pipeline_mode = #tpu.pipeline_mode<synchronous>, transform_indices = @transform_6, window_bounds = array<i64: 128, 128>}, {pipeline_mode = #tpu.pipeline_mode<synchronous>, transform_indices = @transform_7, window_bounds = array<i64: 1, 128>}, {pipeline_mode = #tpu.pipeline_mode<synchronous>, transform_indices = @transform_8, window_bounds = array<i64: 1, 128>}, {transform_indices = @transform_9, window_bounds = array<i64: 1000, 128>}]} {
    %get3A = arith.constant 0 : index
    %get3A_0 = arith.constant 0 : index
    %get3A_1 = vector.load %arg4[%get3A, %get3A_0] : memref<128x128xf32, #tpu.memory_space<vmem>>, vector<128x128xf32>
    %get3A_2 = arith.constant 0 : index
    %get3A_3 = arith.constant 0 : index
    %get3A_4 = vector.load %arg5[%get3A_2, %get3A_3] : memref<128x128xf32, #tpu.memory_space<vmem>>, vector<128x128xf32>
    %add3A = arith.addf %get3A_1, %get3A_4 : vector<128x128xf32>
    %get3A_5 = arith.constant 0 : index
    %get3A_6 = arith.constant 0 : index
    %get3A_7 = vector.load %arg8[%get3A_5, %get3A_6] : memref<1x128xf32, #tpu.memory_space<vmem>>, vector<1x128xf32>
    %get3A_8 = arith.constant 0 : index
    %get3A_9 = arith.constant 0 : index
    %get3A_10 = vector.load %arg9[%get3A_8, %get3A_9] : memref<1x128xf32, #tpu.memory_space<vmem>>, vector<1x128xf32>
    %add3A_11 = arith.addf %get3A_7, %get3A_10 : vector<1x128xf32>
    %get3A_12 = arith.constant 0 : index
    %get3A_13 = arith.constant 0 : index
    %get3A_14 = arith.constant 0 : index
    %get3A_15 = vector.load %arg3[%get3A_12, %get3A_13, %get3A_14] : memref<2x1000x128xf32, #tpu.memory_space<vmem>>, vector<1x1000x1xf32>
    %get3A_16 = vector.shape_cast %get3A_15 : vector<1x1000x1xf32> to vector<1000x1xf32>
    %max3A = arith.constant 1.000000e+00 : f32
    %max3A_17 = vector.broadcast %max3A : f32 to vector<1000x1xf32>
    %max3A_18 = arith.maximumf %get3A_16, %max3A_17 : vector<1000x1xf32>
    %div3A = arith.constant 1.000000e+00 : f32
    %div3A_19 = vector.broadcast %div3A : f32 to vector<1000x1xf32>
    %div3A_20 = arith.divf %div3A_19, %max3A_18 : vector<1000x1xf32>
    %get3A_21 = arith.constant 1 : index
    %get3A_22 = arith.constant 0 : index
    %get3A_23 = arith.constant 0 : index
    %get3A_24 = vector.load %arg3[%get3A_21, %get3A_22, %get3A_23] : memref<2x1000x128xf32, #tpu.memory_space<vmem>>, vector<1x1000x1xf32>
    %get3A_25 = vector.shape_cast %get3A_24 : vector<1x1000x1xf32> to vector<1000x1xf32>
    %max3A_26 = arith.constant 1.000000e+00 : f32
    %max3A_27 = vector.broadcast %max3A_26 : f32 to vector<1000x1xf32>
    %max3A_28 = arith.maximumf %get3A_25, %max3A_27 : vector<1000x1xf32>
    %div3A_29 = arith.constant 1.000000e+00 : f32
    %div3A_30 = vector.broadcast %div3A_29 : f32 to vector<1000x1xf32>
    %div3A_31 = arith.divf %div3A_30, %max3A_28 : vector<1000x1xf32>
    %get3A_32 = arith.constant 0 : index
    %get3A_33 = arith.constant 0 : index
    %get3A_34 = vector.load %arg1[%get3A_32, %get3A_33] : memref<1000x128xf32, #tpu.memory_space<vmem>>, vector<1000x128xf32>
    %dot_general3A = arith.constant dense<0.000000e+00> : vector<1000x128xf32>
    %dot_general3A_35 = tpu.matmul %get3A_34, %add3A, %dot_general3A {dimension_numbers = #tpu.dot_dimension_numbers<[1], [0], [0], [1], [0, 0, 1, 1], [], []>, transpose_lhs_hint = false} : vector<1000x128xf32>, vector<128x128xf32>, vector<1000x128xf32> -> vector<1000x128xf32>
    %get3A_36 = arith.constant 0 : index
    %get3A_37 = arith.constant 0 : index
    %get3A_38 = arith.constant 0 : index
    %get3A_39 = vector.load %arg2[%get3A_36, %get3A_37, %get3A_38] : memref<2x1000x128xf32, #tpu.memory_space<vmem>>, vector<1x1000x128xf32>
    %get3A_40 = vector.shape_cast %get3A_39 : vector<1x1000x128xf32> to vector<1000x128xf32>
    %mul3A = vector.broadcast %div3A_20 : vector<1000x1xf32> to vector<1000x128xf32>
    %mul3A_41 = arith.mulf %get3A_40, %mul3A : vector<1000x128xf32>
    %get3A_42 = arith.constant 0 : index
    %get3A_43 = arith.constant 0 : index
    %get3A_44 = vector.load %arg6[%get3A_42, %get3A_43] : memref<128x128xf32, #tpu.memory_space<vmem>>, vector<128x128xf32>
    %dot_general3A_45 = arith.constant dense<0.000000e+00> : vector<1000x128xf32>
    %dot_general3A_46 = tpu.matmul %mul3A_41, %get3A_44, %dot_general3A_45 {dimension_numbers = #tpu.dot_dimension_numbers<[1], [0], [0], [1], [0, 0, 1, 1], [], []>, transpose_lhs_hint = false} : vector<1000x128xf32>, vector<128x128xf32>, vector<1000x128xf32> -> vector<1000x128xf32>
    %add3A_47 = arith.addf %dot_general3A_35, %dot_general3A_46 : vector<1000x128xf32>
    %get3A_48 = arith.constant 1 : index
    %get3A_49 = arith.constant 0 : index
    %get3A_50 = arith.constant 0 : index
    %get3A_51 = vector.load %arg2[%get3A_48, %get3A_49, %get3A_50] : memref<2x1000x128xf32, #tpu.memory_space<vmem>>, vector<1x1000x128xf32>
    %get3A_52 = vector.shape_cast %get3A_51 : vector<1x1000x128xf32> to vector<1000x128xf32>
    %mul3A_53 = vector.broadcast %div3A_31 : vector<1000x1xf32> to vector<1000x128xf32>
    %mul3A_54 = arith.mulf %get3A_52, %mul3A_53 : vector<1000x128xf32>
    %get3A_55 = arith.constant 0 : index
    %get3A_56 = arith.constant 0 : index
    %get3A_57 = vector.load %arg7[%get3A_55, %get3A_56] : memref<128x128xf32, #tpu.memory_space<vmem>>, vector<128x128xf32>
    %dot_general3A_58 = arith.constant dense<0.000000e+00> : vector<1000x128xf32>
    %dot_general3A_59 = tpu.matmul %mul3A_54, %get3A_57, %dot_general3A_58 {dimension_numbers = #tpu.dot_dimension_numbers<[1], [0], [0], [1], [0, 0, 1, 1], [], []>, transpose_lhs_hint = false} : vector<1000x128xf32>, vector<128x128xf32>, vector<1000x128xf32> -> vector<1000x128xf32>
    %add3A_60 = arith.addf %add3A_47, %dot_general3A_59 : vector<1000x128xf32>
    %add3A_61 = vector.broadcast %add3A_11 : vector<1x128xf32> to vector<1000x128xf32>
    %add3A_62 = arith.addf %add3A_60, %add3A_61 : vector<1000x128xf32>
    %max3A_63 = arith.constant 0.000000e+00 : f32
    %max3A_64 = vector.broadcast %max3A_63 : f32 to vector<1000x128xf32>
    %max3A_65 = arith.maximumf %add3A_62, %max3A_64 : vector<1000x128xf32>
    %swap3A = arith.constant 0 : index
    %swap3A_66 = arith.constant 0 : index
    %swap3A_67 = vector.load %arg10[%swap3A, %swap3A_66] : memref<1000x128xf32, #tpu.memory_space<vmem>>, vector<1000x128xf32>
    tpu.vector_store %arg10[%swap3A, %swap3A_66], %max3A_65 {strides = array<i32>} : memref<1000x128xf32, #tpu.memory_space<vmem>>, vector<1000x128xf32>,
    return
  }
  func.func @transform_0(%arg0: i32) -> (i32, i32) {
    %c0_i32 = arith.constant 0 : i32
    %c0_i32_0 = arith.constant 0 : i32
    return %arg0, %c0_i32 : i32, i32
  }
  func.func @transform_1(%arg0: i32) -> (i32, i32, i32) {
    %c0_i32 = arith.constant 0 : i32
    %c0_i32_0 = arith.constant 0 : i32
    %c0_i32_1 = arith.constant 0 : i32
    return %c0_i32, %arg0, %c0_i32_0 : i32, i32, i32
  }
  func.func @transform_2(%arg0: i32) -> (i32, i32, i32) {
    %c0_i32 = arith.constant 0 : i32
    %c0_i32_0 = arith.constant 0 : i32
    %c0_i32_1 = arith.constant 0 : i32
    return %c0_i32, %arg0, %c0_i32_0 : i32, i32, i32
  }
  func.func @transform_3(%arg0: i32) -> (i32, i32) {
    %c0_i32 = arith.constant 0 : i32
    %c0_i32_0 = arith.constant 0 : i32
    %c0_i32_1 = arith.constant 0 : i32
    return %c0_i32, %c0_i32_0 : i32, i32
  }
  func.func @transform_4(%arg0: i32) -> (i32, i32) {
    %c0_i32 = arith.constant 0 : i32
    %c0_i32_0 = arith.constant 0 : i32
    %c0_i32_1 = arith.constant 0 : i32
    return %c0_i32, %c0_i32_0 : i32, i32
  }
  func.func @transform_5(%arg0: i32) -> (i32, i32) {
    %c0_i32 = arith.constant 0 : i32
    %c0_i32_0 = arith.constant 0 : i32
    %c0_i32_1 = arith.constant 0 : i32
    return %c0_i32, %c0_i32_0 : i32, i32
  }
  func.func @transform_6(%arg0: i32) -> (i32, i32) {
    %c0_i32 = arith.constant 0 : i32
    %c0_i32_0 = arith.constant 0 : i32
    %c0_i32_1 = arith.constant 0 : i32
    return %c0_i32, %c0_i32_0 : i32, i32
  }
  func.func @transform_7(%arg0: i32) -> (i32, i32) {
    %c0_i32 = arith.constant 0 : i32
    %c0_i32_0 = arith.constant 0 : i32
    %c0_i32_1 = arith.constant 0 : i32
    return %c0_i32, %c0_i32_0 : i32, i32
  }
  func.func @transform_8(%arg0: i32) -> (i32, i32) {
    %c0_i32 = arith.constant 0 : i32
    %c0_i32_0 = arith.constant 0 : i32
    %c0_i32_1 = arith.constant 0 : i32
    return %c0_i32, %c0_i32_0 : i32, i32
  }
  func.func @transform_9(%arg0: i32) -> (i32, i32) {
    %c0_i32 = arith.constant 0 : i32
    %c0_i32_0 = arith.constant 0 : i32
    return %arg0, %c0_i32 : i32, i32
  }
}

module attributes {stable_mosaic.version = 14 : i64} {
  func.func @body(%arg0: i32, %arg1: memref<1000x128xf32, #tpu.memory_space<vmem>>, %arg2: memref<2x1000x128xf32, #tpu.memory_space<vmem>>, %arg3: memref<2x1000x128xf32, #tpu.memory_space<vmem>>, %arg4: memref<128x128xf32, #tpu.memory_space<vmem>>, %arg5: memref<128x128xf32, #tpu.memory_space<vmem>>, %arg6: memref<128x128xf32, #tpu.memory_space<vmem>>, %arg7: memref<128x128xf32, #tpu.memory_space<vmem>>, %arg8: memref<1x128xf32, #tpu.memory_space<vmem>>, %arg9: memref<1x128xf32, #tpu.memory_space<vmem>>, %arg10: memref<1000x128xf32, #tpu.memory_space<vmem>>) attributes {dimension_semantics = [#tpu.dimension_semantics<arbitrary>], iteration_bounds = array<i64: 10>, scalar_prefetch = 0 : i64, scratch_operands = 0 : i64, tpu.core_type = #tpu.core_type<tc>, window_params = [{transform_indices = @transform_0, window_bounds = array<i64: 1000, 128>}, {transform_indices = @transform_1, window_bounds = array<i64: 2, 1000, 128>}, {transform_indices = @transform_2, window_bounds = array<i64: 2, 1000, 128>}, {pipeline_mode = #tpu.pipeline_mode<synchronous>, transform_indices = @transform_3, window_bounds = array<i64: 128, 128>}, {pipeline_mode = #tpu.pipeline_mode<synchronous>, transform_indices = @transform_4, window_bounds = array<i64: 128, 128>}, {pipeline_mode = #tpu.pipeline_mode<synchronous>, transform_indices = @transform_5, window_bounds = array<i64: 128, 128>}, {pipeline_mode = #tpu.pipeline_mode<synchronous>, transform_indices = @transform_6, window_bounds = array<i64: 128, 128>}, {pipeline_mode = #tpu.pipeline_mode<synchronous>, transform_indices = @transform_7, window_bounds = array<i64: 1, 128>}, {pipeline_mode = #tpu.pipeline_mode<synchronous>, transform_indices = @transform_8, window_bounds = array<i64: 1, 128>}, {transform_indices = @transform_9, window_bounds = array<i64: 1000, 128>}]} {
    %get3A = arith.constant 0 : index
    %get3A_0 = arith.constant 0 : index
    %get3A_1 = vector.load %arg4[%get3A, %get3A_0] : memref<128x128xf32, #tpu.memory_space<vmem>>, vector<128x128xf32>
    %get3A_2 = arith.constant 0 : index
    %get3A_3 = arith.constant 0 : index
    %get3A_4 = vector.load %arg5[%get3A_2, %get3A_3] : memref<128x128xf32, #tpu.memory_space<vmem>>, vector<128x128xf32>
    %add3A = arith.addf %get3A_1, %get3A_4 : vector<128x128xf32>
    %get3A_5 = arith.constant 0 : index
    %get3A_6 = arith.constant 0 : index
    %get3A_7 = vector.load %arg8[%get3A_5, %get3A_6] : memref<1x128xf32, #tpu.memory_space<vmem>>, vector<1x128xf32>
    %get3A_8 = arith.constant 0 : index
    %get3A_9 = arith.constant 0 : index
    %get3A_10 = vector.load %arg9[%get3A_8, %get3A_9] : memref<1x128xf32, #tpu.memory_space<vmem>>, vector<1x128xf32>
    %add3A_11 = arith.addf %get3A_7, %get3A_10 : vector<1x128xf32>
    %get3A_12 = arith.constant 0 : index
    %get3A_13 = arith.constant 0 : index
    %get3A_14 = arith.constant 0 : index
    %get3A_15 = vector.load %arg3[%get3A_12, %get3A_13, %get3A_14] : memref<2x1000x128xf32, #tpu.memory_space<vmem>>, vector<1x1000x1xf32>
    %get3A_16 = vector.shape_cast %get3A_15 : vector<1x1000x1xf32> to vector<1000x1xf32>
    %max3A = arith.constant 1.000000e+00 : f32
    %max3A_17 = vector.broadcast %max3A : f32 to vector<1000x1xf32>
    %max3A_18 = arith.maximumf %get3A_16, %max3A_17 : vector<1000x1xf32>
    %div3A = arith.constant 1.000000e+00 : f32
    %div3A_19 = vector.broadcast %div3A : f32 to vector<1000x1xf32>
    %div3A_20 = arith.divf %div3A_19, %max3A_18 : vector<1000x1xf32>
    %get3A_21 = arith.constant 1 : index
    %get3A_22 = arith.constant 0 : index
    %get3A_23 = arith.constant 0 : index
    %get3A_24 = vector.load %arg3[%get3A_21, %get3A_22, %get3A_23] : memref<2x1000x128xf32, #tpu.memory_space<vmem>>, vector<1x1000x1xf32>
    %get3A_25 = vector.shape_cast %get3A_24 : vector<1x1000x1xf32> to vector<1000x1xf32>
    %max3A_26 = arith.constant 1.000000e+00 : f32
    %max3A_27 = vector.broadcast %max3A_26 : f32 to vector<1000x1xf32>
    %max3A_28 = arith.maximumf %get3A_25, %max3A_27 : vector<1000x1xf32>
    %div3A_29 = arith.constant 1.000000e+00 : f32
    %div3A_30 = vector.broadcast %div3A_29 : f32 to vector<1000x1xf32>
    %div3A_31 = arith.divf %div3A_30, %max3A_28 : vector<1000x1xf32>
    %get3A_32 = arith.constant 0 : index
    %get3A_33 = arith.constant 0 : index
    %get3A_34 = vector.load %arg1[%get3A_32, %get3A_33] : memref<1000x128xf32, #tpu.memory_space<vmem>>, vector<1000x128xf32>
    %dot_general3A = arith.constant dense<0.000000e+00> : vector<1000x128xf32>
    %dot_general3A_35 = tpu.matmul %get3A_34, %add3A, %dot_general3A {dimension_numbers = #tpu.dot_dimension_numbers<[1], [0], [0], [1], [0, 0, 1, 1], [], []>, transpose_lhs_hint = false} : vector<1000x128xf32>, vector<128x128xf32>, vector<1000x128xf32> -> vector<1000x128xf32>
    %get3A_36 = arith.constant 0 : index
    %get3A_37 = arith.constant 0 : index
    %get3A_38 = arith.constant 0 : index
    %get3A_39 = vector.load %arg2[%get3A_36, %get3A_37, %get3A_38] : memref<2x1000x128xf32, #tpu.memory_space<vmem>>, vector<1x1000x128xf32>
    %get3A_40 = vector.shape_cast %get3A_39 : vector<1x1000x128xf32> to vector<1000x128xf32>
    %mul3A = vector.broadcast %div3A_20 : vector<1000x1xf32> to vector<1000x128xf32>
    %mul3A_41 = arith.mulf %get3A_40, %mul3A : vector<1000x128xf32>
    %get3A_42 = arith.constant 0 : index
    %get3A_43 = arith.constant 0 : index
    %get3A_44 = vector.load %arg6[%get3A_42, %get3A_43] : memref<128x128xf32, #tpu.memory_space<vmem>>, vector<128x128xf32>
    %dot_general3A_45 = arith.constant dense<0.000000e+00> : vector<1000x128xf32>
    %dot_general3A_46 = tpu.matmul %mul3A_41, %get3A_44, %dot_general3A_45 {dimension_numbers = #tpu.dot_dimension_numbers<[1], [0], [0], [1], [0, 0, 1, 1], [], []>, transpose_lhs_hint = false} : vector<1000x128xf32>, vector<128x128xf32>, vector<1000x128xf32> -> vector<1000x128xf32>
    %add3A_47 = arith.addf %dot_general3A_35, %dot_general3A_46 : vector<1000x128xf32>
    %get3A_48 = arith.constant 1 : index
    %get3A_49 = arith.constant 0 : index
    %get3A_50 = arith.constant 0 : index
    %get3A_51 = vector.load %arg2[%get3A_48, %get3A_49, %get3A_50] : memref<2x1000x128xf32, #tpu.memory_space<vmem>>, vector<1x1000x128xf32>
    %get3A_52 = vector.shape_cast %get3A_51 : vector<1x1000x128xf32> to vector<1000x128xf32>
    %mul3A_53 = vector.broadcast %div3A_31 : vector<1000x1xf32> to vector<1000x128xf32>
    %mul3A_54 = arith.mulf %get3A_52, %mul3A_53 : vector<1000x128xf32>
    %get3A_55 = arith.constant 0 : index
    %get3A_56 = arith.constant 0 : index
    %get3A_57 = vector.load %arg7[%get3A_55, %get3A_56] : memref<128x128xf32, #tpu.memory_space<vmem>>, vector<128x128xf32>
    %dot_general3A_58 = arith.constant dense<0.000000e+00> : vector<1000x128xf32>
    %dot_general3A_59 = tpu.matmul %mul3A_54, %get3A_57, %dot_general3A_58 {dimension_numbers = #tpu.dot_dimension_numbers<[1], [0], [0], [1], [0, 0, 1, 1], [], []>, transpose_lhs_hint = false} : vector<1000x128xf32>, vector<128x128xf32>, vector<1000x128xf32> -> vector<1000x128xf32>
    %add3A_60 = arith.addf %add3A_47, %dot_general3A_59 : vector<1000x128xf32>
    %add3A_61 = vector.broadcast %add3A_11 : vector<1x128xf32> to vector<1000x128xf32>
    %add3A_62 = arith.addf %add3A_60, %add3A_61 : vector<1000x128xf32>
    %swap3A = arith.constant 0 : index
    %swap3A_63 = arith.constant 0 : index
    %swap3A_64 = vector.load %arg10[%swap3A, %swap3A_63] : memref<1000x128xf32, #tpu.memory_space<vmem>>, vector<1000x128xf32>
    tpu.vector_store %arg10[%swap3A, %swap3A_63], %add3A_62 {strides = array<i32>} : memref<1000x128xf32, #tpu.memory_space<vmem>>, vector<1000x128xf32>,
    return
  }
  func.func @transform_0(%arg0: i32) -> (i32, i32) {
    %c0_i32 = arith.constant 0 : i32
    %c0_i32_0 = arith.constant 0 : i32
    return %arg0, %c0_i32 : i32, i32
  }
  func.func @transform_1(%arg0: i32) -> (i32, i32, i32) {
    %c0_i32 = arith.constant 0 : i32
    %c0_i32_0 = arith.constant 0 : i32
    %c0_i32_1 = arith.constant 0 : i32
    return %c0_i32, %arg0, %c0_i32_0 : i32, i32, i32
  }
  func.func @transform_2(%arg0: i32) -> (i32, i32, i32) {
    %c0_i32 = arith.constant 0 : i32
    %c0_i32_0 = arith.constant 0 : i32
    %c0_i32_1 = arith.constant 0 : i32
    return %c0_i32, %arg0, %c0_i32_0 : i32, i32, i32
  }
  func.func @transform_3(%arg0: i32) -> (i32, i32) {
    %c0_i32 = arith.constant 0 : i32
    %c0_i32_0 = arith.constant 0 : i32
    %c0_i32_1 = arith.constant 0 : i32
    return %c0_i32, %c0_i32_0 : i32, i32
  }
  func.func @transform_4(%arg0: i32) -> (i32, i32) {
    %c0_i32 = arith.constant 0 : i32
    %c0_i32_0 = arith.constant 0 : i32
    %c0_i32_1 = arith.constant 0 : i32
    return %c0_i32, %c0_i32_0 : i32, i32
  }
  func.func @transform_5(%arg0: i32) -> (i32, i32) {
    %c0_i32 = arith.constant 0 : i32
    %c0_i32_0 = arith.constant 0 : i32
    %c0_i32_1 = arith.constant 0 : i32
    return %c0_i32, %c0_i32_0 : i32, i32
  }
  func.func @transform_6(%arg0: i32) -> (i32, i32) {
    %c0_i32 = arith.constant 0 : i32
    %c0_i32_0 = arith.constant 0 : i32
    %c0_i32_1 = arith.constant 0 : i32
    return %c0_i32, %c0_i32_0 : i32, i32
  }
  func.func @transform_7(%arg0: i32) -> (i32, i32) {
    %c0_i32 = arith.constant 0 : i32
    %c0_i32_0 = arith.constant 0 : i32
    %c0_i32_1 = arith.constant 0 : i32
    return %c0_i32, %c0_i32_0 : i32, i32
  }
  func.func @transform_8(%arg0: i32) -> (i32, i32) {
    %c0_i32 = arith.constant 0 : i32
    %c0_i32_0 = arith.constant 0 : i32
    %c0_i32_1 = arith.constant 0 : i32
    return %c0_i32, %c0_i32_0 : i32, i32
  }
  func.func @transform_9(%arg0: i32) -> (i32, i32) {
    %c0_i32 = arith.constant 0 : i32
    %c0_i32_0 = arith.constant 0 : i32
    return %arg0, %c0_i32 : i32, i32
  }
}

</mosaic_0001>

<sc_bundles>
// kernel: kernel.10.cloned.1.call-start
scs
__scs_entry_jumppad:
0x0: {  	(pc) =	sbr.rel $0x88, $3  }
0x1: {  	(tag) =	ssettag $0x0;
	lr =	simm.s32 $0x1  }
0x2: {  	[smem:$0x3F92] =	sst lr;
	_ =	strace $0xD0000000  }
0x3: {  	_ = 	snop  }
0x4: {  	_ = 	snop  }
0x5: {  	_ = 	snop  }
0x6: {  	_ = 	snop  }
0x7: {  	_ = 	snop  }
__scs_overlays_trampoline_lowered:
0x8: {  	[smem:$0x3FA1] =	sst s0  }
0x9: {  	[smem:$0x3FA2] =	sst s1  }
0xa: {  	[smem:$0x3FA3] =	sst s2  }
0xb: {  	[smem:$0x3FA4] =	sst s3  }
0xc: {  	[smem:$0x3FA5] =	sst s4  }
0xd: {  	[smem:$0x3FA6] =	sst s5  }
0xe: {  	[smem:$0x3FA7] =	sst s6  }
0xf: {  	[smem:$0x3FA8] =	sst s7  }
0x10: {  	[smem:$0x3FA9] =	sst s8  }
0x11: {  	[smem:$0x3FAA] =	sst s9;
	s0 =	simm.s32 @!p0 $0x0  }
0x12: {  	s1 =	sld [smem:$0x3F90];
	s0 =	simm.s32 @p0 $0x1  }
0x13: {  	[smem:$0x3FAB] =	sst s0;
	s0 =	simm.s32 @!p1 $0x0  }
0x14: {  	s2 =	sld [smem:$0x3F8F];
	s0 =	simm.s32 @p1 $0x1  }
0x15: {  	[smem:$0x3FAC] =	sst s0;
	s0 =	simm.s32 @!p2 $0x0  }
0x16: {  	s3 =	sld [smem:$0x3FDB];
	s0 =	simm.s32 @p2 $0x1  }
0x17: {  	s4 =	simm.s32 $0x1BF5;
	[smem:$0x3FAE] =	sst s0  }
0x18: {  	s0 =	sld [smem:$0x3F91];
	_ =	swait.ge [sflag:s4], $0x0  }
0x19: {  	s7 =	sld [smem:$0x3F92]  }
0x1a: {  	s8 =	sadd.s32 $0xFFFFE003, lr  }
0x1b: {  	s9 =	sadd.s32 $0xFFFFFEF7, lr;
	s5 =	simm.s32 $0xFFFFFFFF;
	p2 =	slt.u32 s8, $0xFFFFF086  }
0x1c: {  	p1 =	slt.u32 s9, $0xF7A;
	s5 =	simm.s32 @!p2 $0x0  }
0x1d: {  	s5 =	simm.s32 @p1 $0x1;
	p0 =	seq.s32 s7, s2  }
0x1e: {  	s7 =	smul.u32 @!p0 $0xF7A, s2;
	p2 =	seq.s32 @!p0 s5, $0x0  }
0x1f: {  	s9 =	smul.u32 $0xF7A, s1;
	s8 =	simm.s32 @!p0 $0x1BF5;
	p2 =	por !p2, p0  }
0x20: {  	[sflag:s8] =	ssyncset.s32 @!p0 $0xFFFFF086;
	s6 =	sadd.s32 @!p0 s3, s7;
	s7 =	simm.s32 @!p0 $0x108  }
0x21: {  	s3 =	sadd.s32 s3, s9;
	s6 =	sadd.s32 @!p0 $0x88, s6;
	s7 =	simm.s32 @p2 $0x1082  }
0x22: {  	[simem:s7], [sflag:s8] =	dma.local @!p0 [hbm:s6], $0xF7A  }
0x23: {  	s9 =	sor.u32 $0xD0000000, s2;
	s6 =	simm.s32 $0x108;
	_ =	swait.ge @!p0 [sflag:s8], $0x0  }
0x24: {  	s3 =	sadd.s32 $0x88, s3;
	s6 =	simm.s32 @!p1 $0x1082;
	[sflag:s4] =	ssyncset.s32 $0xFFFFF086  }
0x25: {  	[simem:s6], [sflag:s4] =	dma.local [hbm:s3], $0xF7A  }
0x26: {  	[smem:$0x3F92] =	sst s1;
	(tag) =	ssettag s2;
	_ =	strace s9  }
0x27: {  	s1 =	sld [smem:$0x3FA2]  }
0x28: {  	s2 =	sld [smem:$0x3FA3]  }
0x29: {  	s4 =	sld [smem:$0x3FA5]  }
0x2a: {  	p0 =	seq.s32 s5, $0x0;
	s5 =	sld [smem:$0x3FA6]  }
0x2b: {  	s6 =	sld [smem:$0x3FA7]  }
0x2c: {  	s7 =	sld [smem:$0x3FA8]  }
0x2d: {  	s3 =	simm.s32 $0x108;
	s8 =	sld [smem:$0x3FA9]  }
0x2e: {  	s3 =	simm.s32 @!p0 $0x1082;
	s9 =	sld [smem:$0x3FAA]  }
0x2f: {  	lr =	sadd.s32 s0, s3;
	s0 =	sld [smem:$0x3FA1]  }
0x30: {  	s3 =	sld [smem:$0x3FA4]  }
0x31: {  	[smem:$0x3FAD] =	sst s10  }
0x32: {  	s10 =	sld [smem:$0x3FAB];
	_ =	sdelay $0x3  }
0x33: {  	p0 =	seq.s32 s10, $0x1;
	s10 =	sld [smem:$0x3FAD];
	_ =	sdelay $0x3  }
0x34: {  	[smem:$0x3FAD] =	sst s10  }
0x35: {  	s10 =	sld [smem:$0x3FAC];
	_ =	sdelay $0x3  }
0x36: {  	p1 =	seq.s32 s10, $0x1;
	s10 =	sld [smem:$0x3FAD];
	_ =	sdelay $0x3  }
0x37: {  	[smem:$0x3FAD] =	sst s10  }
0x38: {  	s10 =	sld [smem:$0x3FAE]  }
0x39: {  	_ = 	snop;
	(pc) =	sbr.ind lr, $3  }
0x3a: {  	_ = 	snop  }
0x3b: {  	_ = 	snop  }
0x3c: {  	p2 =	seq.s32 s10, $0x1;
	s10 =	sld [smem:$0x3FAD]  }
0x3d: {  	_ =	shalt  }
0x3e: {  	_ =	shalt  }
0x3f: {  	_ =	shalt  }
0x40: {  	_ =	shalt  }
0x41: {  	_ =	shalt  }
0x42: {  	_ =	shalt  }
0x43: {  	_ =	shalt  }
0x44: {  	_ =	shalt  }
0x45: {  	_ =	shalt  }
0x46: {  	_ =	shalt  }
0x47: {  	_ =	shalt  }
0x48: {  	_ =	shalt  }
0x49: {  	_ =	shalt  }
0x4a: {  	_ =	shalt  }
0x4b: {  	_ =	shalt  }
0x4c: {  	_ =	shalt  }
0x4d: {  	_ =	shalt  }
0x4e: {  	_ =	shalt  }
0x4f: {  	_ =	shalt  }
0x50: {  	_ =	shalt  }
0x51: {  	_ =	shalt  }
0x52: {  	_ =	shalt  }
0x53: {  	_ =	shalt  }
0x54: {  	_ =	shalt  }
0x55: {  	_ =	shalt  }
0x56: {  	_ =	shalt  }
0x57: {  	_ =	shalt  }
0x58: {  	_ =	shalt  }
0x59: {  	_ =	shalt  }
0x5a: {  	_ =	shalt  }
0x5b: {  	_ =	shalt  }
0x5c: {  	_ =	shalt  }
0x5d: {  	_ =	shalt  }
0x5e: {  	_ =	shalt  }
0x5f: {  	_ =	shalt  }
0x60: {  	_ =	shalt  }
0x61: {  	_ =	shalt  }
0x62: {  	_ =	shalt  }
0x63: {  	_ =	shalt  }
0x64: {  	_ =	shalt  }
0x65: {  	_ =	shalt  }
0x66: {  	_ =	shalt  }
0x67: {  	_ =	shalt  }
0x68: {  	_ =	shalt  }
0x69: {  	_ =	shalt  }
0x6a: {  	_ =	shalt  }
0x6b: {  	_ =	shalt  }
0x6c: {  	_ =	shalt  }
0x6d: {  	_ =	shalt  }
0x6e: {  	_ =	shalt  }
0x6f: {  	_ =	shalt  }
0x70: {  	_ =	shalt  }
0x71: {  	_ =	shalt  }
0x72: {  	_ =	shalt  }
0x73: {  	_ =	shalt  }
0x74: {  	_ =	shalt  }
0x75: {  	_ =	shalt  }
0x76: {  	_ =	shalt  }
0x77: {  	_ =	shalt  }
0x78: {  	_ =	shalt  }
0x79: {  	_ =	shalt  }
0x7a: {  	_ =	shalt  }
0x7b: {  	_ =	shalt  }
0x7c: {  	_ =	shalt  }
0x7d: {  	_ =	shalt  }
0x7e: {  	_ =	shalt  }
0x7f: {  	_ =	shalt  }
0x80: {  	_ =	shalt  }
0x81: {  	_ =	shalt  }
0x82: {  	_ =	shalt  }
0x83: {  	_ =	shalt  }
0x84: {  	_ =	shalt  }
0x85: {  	_ =	shalt  }
0x86: {  	_ =	shalt  }
0x87: {  	_ =	shalt  }
.Lfunc_end0:
.L_simem_size_0:
called_computation.1_lowered:
.L_overlay_start_0:
0x88: {  	s2 =	sld [smem:$0x3FD9]  }
0x89: {  	s3 =	sld [smem:$0x3FFE];
	_ =	sdelay $0x1  }
0x8a: {  	s1 =	srdreg.scid  }
0x8b: {  	s0 =	sand.u32 $0x1, s1  }
0x8c: {  	s17 =	sshll.u32 s0, $0xA;
	s2 =	sadd.s32 s3, s2  }
0x8d: {  	s2 =	sadd.s32 s2, s17  }
0x8e: {  	[smem:$0x3FB9] =	sst s2  }
0x8f: {  	_ = 	snop  }
0x90: {  	s18 =	sld [smem:$0x3FC9];
	(tm) =	ssettm $0x1  }
0x91: {  	s19 =	sld [smem:$0x3FFB];
	_ =	sdelay $0x3  }
0x92: {  	_ =	strace s19  }
0x93: {  	s2 =	sld [smem:$0x3FFC];
	_ =	sdelay $0x3  }
0x94: {  	_ =	strace s2  }
0x95: {  	s2 =	sld [smem:$0x3FFD];
	_ =	sdelay $0x3  }
0x96: {  	_ =	strace s2  }
0x97: {  	_ =	strace $0x8FFFFFFF  }
0x98: {  	s20 =	sld [smem:$0x3FDB];
	_ =	sdelay $0x1  }
0x99: {  	s4 =	simm.s32 $_scs_section_size  }
0x9a: {  	s5 =	simm.s32 $_size__tile_overlayer_lowered;
	s6 =	simm.s32 $_tile_overlayer_lowered  }
0x9b: {  	s7 =	simm.s32 $0x1BFF;
	s21 =	sshll.u32 s6, $0x1;
	s4 =	sadd.s32 s4, s20  }
0x9c: {  	s22 =	simm.s32 $0x0;
	s5 =	sshll.u32 s5, $0x1;
	s6 =	sadd.s32 s21, s4  }
0x9d: {  	[timem:s22], [sflag:s7] =	dma.local [hbm:s6], s5  }
0x9e: {  	_ =	swait.ge [sflag:s7], s5  }
0x9f: {  	s5 =	ssub.s32 $0x0, s5;
	[sflag:s7] =	ssyncset.done $0x0  }
0xa0: {  	[sflag:s7] =	ssyncadd.s32 s5;
	_ =	sdelay $0x1  }
0xa1: {  	s23 =	simm.s32 $0x1B8B  }
0xa2: {  	_ =	swait.ge [sflag:s23], $0x1  }
0xa3: {  	[sflag:s23] =	ssyncset.done $0x0  }
0xa4: {  	[sflag:s23] =	ssyncadd.s32 $0xFFFFFFFF  }
0xa5: {  	s5 =	sld [smem:$0x0]  }
0xa6: {  	s6 =	sand.u32 $0xFFFFFFFE, s1  }
0xa7: {  	p0 =	sne.s32 s1, s6  }
0xa8: {  	s6 =	sshll.u32 @p0 s6, $0xE  }
0xa9: {  	s6 =	sadd.s32 @p0 $0x11B8D, s6;
	s7 =	sshll.u32 @p0 s5, $0x11  }
0xaa: {  	s6 =	sor.u32 @p0 s7, s6  }
0xab: {  	[sflag:s6] =	ssyncadd.remote.s32 @p0 $0x1;
	_ =	sdelay $0x1  }
0xac: {  	s6 =	simm.s32 @p0 $0x1B8D  }
0xad: {  	_ =	swait.eq @p0 [sflag:s6], $0x1  }
0xae: {  	[sflag:s6] =	ssyncadd.s32 @p0 $0xFFFFFFFF  }
0xaf: {  	s7 =	sshll.u32 @!p0 s1, $0xE  }
0xb0: {  	s7 =	sor.u32 @!p0 $0x4000, s7;
	s6 =	simm.s32 @!p0 $0x1B8D  }
0xb1: {  	s5 =	sshll.u32 @!p0 s5, $0x11;
	s7 =	sadd.s32 @!p0 $0x11B8D, s7;
	_ =	swait.eq @!p0 [sflag:s6], $0x1  }
0xb2: {  	s5 =	sor.u32 @!p0 s5, s7;
	[sflag:s6] =	ssyncadd.s32 @!p0 $0xFFFFFFFF  }
0xb3: {  	s25 =	simm.s32 $0x1B8E;
	s24 =	sld [smem:$0x3FFE];
	[sflag:s5] =	ssyncadd.remote.s32 @!p0 $0x1  }
0xb4: {  	s26 =	simm.s32 $execute0_lowered;
	[smem:$0x3FD2] =	sst s25  }
0xb5: {  	s6 =	sshll.u32 s26, $0x1;
	_ =	strace $0x80000049;
	[dreg:$0x1] =	wrdreg $0xFFFFFFFF  }
0xb6: {  	s28 =	simm.s32 $_size_execute0_lowered;
	s4 =	sadd.s32 s4, s6;
	[dreg:$0x0] =	wrdreg $0x0  }
0xb7: {  	s6 =	sshll.u32 s28, $0x1;
	[dreg:$0x2] =	wrdreg s4  }
0xb8: {  	[dreg:$0x3] =	wrdreg s6  }
0xb9: {  	[dreg:$0x4] =	wrdreg $0xC0  }
0xba: {  	_ =	task [dreg:s22], $0x5FFFF  }
0xbb: {  	[dreg:$0x1] =	wrdreg $0xFFFFFFFF  }
0xbc: {  	[dreg:$0x0] =	wrdreg $0x60  }
0xbd: {  	[dreg:$0x2] =	wrdreg s18  }
0xbe: {  	[dreg:$0x3] =	wrdreg s24  }
0xbf: {  	[dreg:$0x4] =	wrdreg $0xA8000  }
0xc0: {  	[dreg:$0x5] =	wrdreg $0xA  }
0xc1: {  	_ =	task.clear_ibuf [dreg:s22], $0x6FFFF;
	_ =	strace $0x90000049  }
0xc2: {  	s29 =	simm.s32 $0xA;
	_ =	strace $0x8000004B  }
0xc3: {  	_ =	swait.ge [sflag:s29], $0x1  }
0xc4: {  	[sflag:s29] =	ssyncadd.s32 $0xFFFFFFFF  }
0xc5: {  	_ =	strace $0x9000004B  }
0xc6: {  	_ =	sfence  }
0xc7: {  	s30 =	sld [smem:$0x0];
	_ =	sdelay $0x2  }
0xc8: {  	s31 =	sshll.u32 s1, $0xD;
	s1 =	sshrl.u32 s1, $0x2  }
0xc9: {  	s4 =	sand.u32 $0x4000, s31;
	s1 =	sadd.s32 s1, s30  }
0xca: {  	s0 =	sor.u32 s4, s0;
	s1 =	sshll.u32 s1, $0x11  }
0xcb: {  	s0 =	sor.u32 s1, s0  }
0xcc: {  	s0 =	sadd.s32 $0x8F2B, s0  }
0xcd: {  	[sflag:s0] =	ssyncadd.remote.s32 $0x1  }
0xce: {  	_ =	sfence.sel $0xFFFF  }
0xcf: {  	[dreg:$0x0] =	wrdreg $0xFFFFFFFF;
	(pc) =	sbr.abs _section_cstart, $3  }
0xd0: {  	[dreg:$0x1] =	wrdreg $0xFFFFFFFF  }
0xd1: {  	_ =	task.clear_ibuf [dreg:s22], $0x2FFFF;
	_ =	strace $0x9FFFFFFF  }
0xd2: {  	(tm) =	ssettm $0x7FFFFFFF  }
0xd3: {  	_ =	shalt  }
tec
execute0_lowered:
.L_overlay_start_1:
0x0: {  	(tag) =	ssettag $0x1  }
0x1: {  	s0 =	srdreg.scid;
	s17 =	stileid.u32  }
0x2: {  	s2 =	rddreg [dreg:$0x1];
	s1 =	simm.s32 $0x0;
	s4 =	smul.u32 $0x2800, s17  }
0x3: {  	s0 =	sand.u32 $0x1, s0;
	[smem:$0x7FF] =	sst s1;
	s26 =	smul.u32 $0x14000, s17  }
0x4: {  	s5 =	sadd.s32 $0x5DC00, s2;
	s6 =	sadd.s32 $0x3C00, s2;
	s3 =	smul.u32 $0x28000, s0  }
0x5: {  	s2 =	sadd.s32 $0x67C00, s2;
	s7 =	ssub.s32 $0x2, s0;
	s0 =	smul.u32 $0x140000, s0  }
0x6: {  	s8 =	sshrl.u32 s7, $0x1;
	s18 =	sadd.s32 $0x6000, s26;
	s22 =	sadd.s32 $0xC000, s26  }
0x7: {  	s3 =	sadd.s32 s4, s3;
	s4 =	ssub.s32 s7, s8;
	s13 =	sadd.s32 s0, s26  }
0x8: {  	s8 =	sadd.s32 $0x4000, s26;
	s19 =	sadd.s32 s0, s18;
	s3 =	sshrl.u32 s3, $0x3  }
0x9: {  	s23 =	sadd.s32 s0, s22;
	s7 =	sadd.s32 $0x12000, s26;
	s9 =	sadd.s32 s5, s3  }
0xa: {  	s10 =	sadd.s32 $0x280, s3;
	s3 =	sadd.s32 s6, s3;
	[dreg:$0x4] =	wrdreg s9  }
0xb: {  	s16 =	sadd.s32 s0, s8;
	s4 =	smax.u32 s4, $0x1;
	[dreg:$0x5] =	wrdreg s3  }
0xc: {  	s11 =	sadd.s32 s5, s10;
	s3 =	sor.u32 $0x2000, s26;
	s12 =	sadd.s32 s6, s10  }
0xd: {  	s5 =	sshrl.u32 s13, $0x3;
	s9 =	sadd.s32 $0x8000, s26;
	[dreg:$0x6] =	wrdreg s11  }
0xe: {  	[dreg:$0x7] =	wrdreg s12;
	s14 =	sadd.s32 s0, s3;
	s5 =	sadd.s32 s2, s5  }
0xf: {  	s10 =	sadd.s32 s0, s9;
	s11 =	sadd.s32 $0xA000, s26;
	s12 =	sadd.s32 $0xE000, s26  }
0x10: {  	s6 =	sshrl.u32 s14, $0x3;
	[dreg:$0x8] =	wrdreg s5;
	s5 =	sshrl.u32 s16, $0x3  }
0x11: {  	s10 =	sshrl.u32 s10, $0x3;
	s21 =	sadd.s32 s0, s11;
	s13 =	sadd.s32 s0, s12  }
0x12: {  	s14 =	sadd.s32 $0x10000, s26;
	s16 =	rddreg [dreg:$0x2];
	s26 =	smul.u32 $0x50000, s17  }
0x13: {  	s15 =	sadd.s32 s2, s6;
	s5 =	sadd.s32 s2, s5;
	s20 =	sadd.s32 s2, s10  }
0x14: {  	s13 =	sshrl.u32 s13, $0x3;
	s25 =	sadd.s32 s0, s14;
	s0 =	sadd.s32 s0, s7  }
0x15: {  	s17 =	sadd.s32 s18, s16;
	s18 =	sadd.s32 s9, s16;
	[dreg:$0x9] =	wrdreg s15  }
0x16: {  	s7 =	sadd.s32 s7, s16;
	s9 =	simm.s32 $0x1;
	[dreg:$0xa] =	wrdreg s5  }
0x17: {  	s10 =	simm.s32 $0x3;
	s5 =	sshrl.u32 s19, $0x3;
	[dreg:$0xc] =	wrdreg s20  }
0x18: {  	s24 =	sadd.s32 s2, s13;
	s15 =	rddreg [dreg:$0x0];
	s0 =	sshrl.u32 s0, $0x3  }
0x19: {  	s13 =	sadd.s32 s8, s16;
	s20 =	sadd.s32 s11, s16;
	s30 =	sshrl.u32 s7, $0x3  }
0x1a: {  	s8 =	simm.s32 $0x2800;
	s11 =	simm.s32 $0x1400;
	s5 =	sadd.s32 s2, s5  }
0x1b: {  	[dreg:$0xf] =	wrdreg s24;
	s0 =	sadd.s32 s2, s0;
	s24 =	sshrl.u32 s13, $0x3  }
0x1c: {  	s13 =	simm.s32 $0x80;
	[dreg:$0xb] =	wrdreg s5;
	s5 =	sshrl.u32 s21, $0x3  }
0x1d: {  	[dreg:$0x11] =	wrdreg s0;
	s21 =	sadd.s32 s22, s16;
	s5 =	sadd.s32 s2, s5  }
0x1e: {  	s22 =	sadd.s32 s12, s16;
	[dreg:$0xd] =	wrdreg s5;
	s5 =	sshrl.u32 s23, $0x3  }
0x1f: {  	s12 =	simm.s32 $0x7D;
	s28 =	sshrl.u32 s22, $0x3;
	s5 =	sadd.s32 s2, s5  }
0x20: {  	s23 =	sadd.s32 s14, s16;
	[dreg:$0xe] =	wrdreg s5;
	s5 =	sshrl.u32 s25, $0x3  }
0x21: {  	s29 =	sshrl.u32 s23, $0x3;
	s25 =	sshrl.u32 s17, $0x3;
	s5 =	sadd.s32 s2, s5  }
0x22: {  	s17 =	simm.s32 $0x6800;
	s2 =	sshrl.u32 s26, $0x2;
	[dreg:$0x10] =	wrdreg s5  }
0x23: {  	s26 =	sshrl.u32 s18, $0x3;
	_ =	strace $0x8000004A;
	[dreg:$0x12] =	wrdreg s4  }
0x24: {  	s18 =	simm.s32 $0x2;
	s5 =	sadd.s32 s3, s16;
	[dreg:$0x14] =	wrdreg s24  }
0x25: {  	s19 =	sadd.s32 s2, s16;
	s0 =	sshrl.u32 s5, $0x3;
	[dreg:$0x15] =	wrdreg s25  }
0x26: {  	[dreg:$0x16] =	wrdreg s26;
	s25 =	sshrl.u32 s20, $0x3;
	s26 =	sshrl.u32 s21, $0x3  }
0x27: {  	s31 =	sadd.s32 $0x2000, s19;
	s14 =	sadd.s32 $0x4000, s19;
	s2 =	sadd.s32 $0x8000, s19  }
0x28: {  	s3 =	sadd.s32 $0xA000, s19;
	s4 =	sadd.s32 $0xC000, s19;
	s5 =	sadd.s32 $0xE000, s19  }
0x29: {  	s6 =	sadd.s32 $0x10000, s19;
	s7 =	sadd.s32 $0x12000, s19;
	s20 =	simm.s32 $0x2700  }
0x2a: {  	v0 =	vimm.f32 $0.0e+00;
	s21 =	simm.s32 $0x2780;
	[dreg:$0x13] =	wrdreg s0;
	s0 =	sadd.s32 $0x6000, s19  }
.LBB2_1:
0x2b: {  	s22 =	simm.s32 $0x0;
	s23 =	simm.s32 $0x200  }
.LBB2_2:
0x2c: {  	p0 =	sne.s32 s23, $0x7E00;
	[tilespmem:s22+$0x2870] =	vst v0  }
0x2d: {  	[tilespmem:s22+$0x2800] =	vst v0  }
0x2e: {  	[tilespmem:s22+$0x2810] =	vst v0  }
.Ltmp0:
0x2f: {  	[tilespmem:s22+$0x2820] =	vst v0;
	(pc) =	sbr.rel @p0 .LBB2_2-.Ltmp0, $4  }
0x30: {  	[tilespmem:s22+$0x2830] =	vst v0  }
0x31: {  	[tilespmem:s22+$0x2840] =	vst v0  }
0x32: {  	[tilespmem:s22+$0x2850] =	vst v0  }
0x33: {  	[tilespmem:s22+$0x2860] =	vst v0;
	s22 =	sshra.s32 s23, $0x2;
	s23 =	sadd.s32 $0x200, s23  }
0x34: {  	[tilespmem:s22+$0x2870] =	vst v0  }
0x35: {  	[tilespmem:s22+$0x2800] =	vst v0  }
0x36: {  	[tilespmem:s22+$0x2810] =	vst v0  }
0x37: {  	[tilespmem:s22+$0x2820] =	vst v0  }
0x38: {  	[tilespmem:s22+$0x2830] =	vst v0  }
0x39: {  	[tilespmem:s22+$0x2840] =	vst v0  }
0x3a: {  	[tilespmem:s22+$0x2850] =	vst v0  }
0x3b: {  	[tilespmem:s22+$0x2860] =	vst v0  }
0x3c: {  	[spmem:s19] =	stream.linear.scatter [tilespmem:s8], [sflag:$0x1], $0x2000, $0x38;
	[tilespmem:$0x1E800] =	vst v63  }
0x3d: {  	_ = 	snop  }
0x3e: {  	[spmem:s31] =	stream.linear.scatter [tilespmem:s8], [sflag:$0x1], $0x2000, $0x38;
	[tilespmem:$0x1E800] =	vst v63  }
0x3f: {  	_ = 	snop  }
0x40: {  	[spmem:s14] =	stream.linear.scatter [tilespmem:s8], [sflag:$0x1], $0x2000, $0x38;
	[tilespmem:$0x1E800] =	vst v63  }
0x41: {  	_ = 	snop  }
0x42: {  	[spmem:s0] =	stream.linear.scatter [tilespmem:s8], [sflag:$0x1], $0x2000, $0x38;
	[tilespmem:$0x1E800] =	vst v63  }
0x43: {  	_ = 	snop  }
0x44: {  	[spmem:s2] =	stream.linear.scatter [tilespmem:s8], [sflag:$0x1], $0x2000, $0x38;
	[tilespmem:$0x1E800] =	vst v63  }
0x45: {  	_ = 	snop  }
0x46: {  	[spmem:s3] =	stream.linear.scatter [tilespmem:s8], [sflag:$0x1], $0x2000, $0x38;
	[tilespmem:$0x1E800] =	vst v63  }
0x47: {  	_ = 	snop  }
0x48: {  	[spmem:s4] =	stream.linear.scatter [tilespmem:s8], [sflag:$0x1], $0x2000, $0x38;
	[tilespmem:$0x1E800] =	vst v63  }
0x49: {  	_ = 	snop  }
0x4a: {  	[spmem:s5] =	stream.linear.scatter [tilespmem:s8], [sflag:$0x1], $0x2000, $0x38;
	[tilespmem:$0x1E800] =	vst v63  }
0x4b: {  	_ = 	snop  }
0x4c: {  	[spmem:s6] =	stream.linear.scatter [tilespmem:s8], [sflag:$0x1], $0x2000, $0x38;
	[tilespmem:$0x1E800] =	vst v63  }
0x4d: {  	_ = 	snop  }
0x4e: {  	[spmem:s7] =	stream.linear.scatter [tilespmem:s8], [sflag:$0x1], $0x2000, $0x38;
	[tilespmem:$0x1E800] =	vst v63  }
0x4f: {  	_ =	swait.ge [sflag:s9], $0x2000  }
0x50: {  	[sflag:s9] =	ssyncset.done $0x0  }
0x51: {  	[sflag:s9] =	ssyncadd.s32 $0xFFFFE000  }
0x52: {  	_ =	swait.ge [sflag:s9], $0x2000  }
0x53: {  	[sflag:s9] =	ssyncset.done $0x0  }
0x54: {  	[sflag:s9] =	ssyncadd.s32 $0xFFFFE000  }
0x55: {  	_ =	swait.ge [sflag:s9], $0x2000  }
0x56: {  	[sflag:s9] =	ssyncset.done $0x0  }
0x57: {  	[sflag:s9] =	ssyncadd.s32 $0xFFFFE000  }
0x58: {  	_ =	swait.ge [sflag:s9], $0x2000  }
0x59: {  	[sflag:s9] =	ssyncset.done $0x0  }
0x5a: {  	[sflag:s9] =	ssyncadd.s32 $0xFFFFE000  }
0x5b: {  	_ =	swait.ge [sflag:s9], $0x2000  }
0x5c: {  	[sflag:s9] =	ssyncset.done $0x0  }
0x5d: {  	[sflag:s9] =	ssyncadd.s32 $0xFFFFE000  }
0x5e: {  	_ =	swait.ge [sflag:s9], $0x2000  }
0x5f: {  	[sflag:s9] =	ssyncset.done $0x0  }
0x60: {  	[sflag:s9] =	ssyncadd.s32 $0xFFFFE000  }
0x61: {  	_ =	swait.ge [sflag:s9], $0x2000  }
0x62: {  	[sflag:s9] =	ssyncset.done $0x0  }
0x63: {  	[sflag:s9] =	ssyncadd.s32 $0xFFFFE000  }
0x64: {  	_ =	swait.ge [sflag:s9], $0x2000  }
0x65: {  	[sflag:s9] =	ssyncset.done $0x0  }
0x66: {  	[sflag:s9] =	ssyncadd.s32 $0xFFFFE000  }
0x67: {  	_ =	swait.ge [sflag:s9], $0x2000  }
0x68: {  	[sflag:s9] =	ssyncset.done $0x0  }
0x69: {  	[sflag:s9] =	ssyncadd.s32 $0xFFFFE000  }
0x6a: {  	_ =	swait.ge [sflag:s9], $0x2000  }
0x6b: {  	[sflag:s9] =	ssyncset.done $0x0  }
0x6c: {  	[sflag:s9] =	ssyncadd.s32 $0xFFFFE000  }
0x6d: {  	[bflag:$0x0] =	sbarrier.arrive $0xFFFF  }
0x6e: {  	s22 =	simm.s32 $0x0;
	s23 =	rddreg [dreg:$0x4]  }
0x6f: {  	[tilespmem:s22], [sflag:$0x3] =	stream.linear.gather [hbm4b:s23+s22], $0x1400, $0x38;
	[tilespmem:$0x1E800] =	vst v63  }
0x70: {  	_ =	swait.ge [sflag:s10], $0x1400  }
0x71: {  	[sflag:s10] =	ssyncset.done $0x0  }
0x72: {  	s24 =	rddreg [dreg:$0x5];
	[sflag:s10] =	ssyncadd.s32 $0xFFFFEC00  }
0x73: {  	[tilespmem:s11], [sflag:$0x3] =	stream.linear.gather [hbm4b:s24+s22], $0x1400, $0x38;
	[tilespmem:$0x1E800] =	vst v63  }
0x74: {  	_ =	swait.ge [sflag:s10], $0x1400  }
0x75: {  	[sflag:s10] =	ssyncset.done $0x0  }
0x76: {  	[sflag:s10] =	ssyncadd.s32 $0xFFFFEC00  }
0x77: {  	[tilespmem:s8], [sflag:$0x1] =	stream.indirect.gather [hbm4b:s15+s12], $0x80, s22, s12, $0xb8;
	[tilespmem:$0x1E800] =	vst v63  }
0x78: {  	_ = 	snop  }
0x79: {  	[tilespmem:s17], [sflag:$0x2] =	stream.indirect.gather [hbm4b:s15+s12], $0x80, s13, s12, $0xb8;
	[tilespmem:$0x1E800] =	vst v63  }
0x7a: {  	_ =	swait.ge [sflag:s9], $0x3E80  }
0x7b: {  	[sflag:s9] =	ssyncset.done $0x0  }
0x7c: {  	s24 =	simm.s32 $0x1400;
	[sflag:s9] =	ssyncadd.s32 $0xFFFFC180  }
0x7d: {  	[spmem:s16] =	stream.indirect.scatter.add.f32 [tilespmem:s8], [sflag:$0x3], $0x80, s24, s12, $0xb8;
	[tilespmem:$0x1E800] =	vst v63  }
0x7e: {  	_ =	swait.ge [sflag:s10], $0x3E80  }
0x7f: {  	[sflag:s10] =	ssyncset.done $0x0  }
0x80: {  	s23 =	simm.s32 $0x100;
	[sflag:s10] =	ssyncadd.s32 $0xFFFFC180  }
0x81: {  	[tilespmem:s8], [sflag:$0x1] =	stream.indirect.gather [hbm4b:s15+s12], $0x80, s23, s12, $0xb8;
	[tilespmem:$0x1E800] =	vst v63  }
0x82: {  	_ =	swait.ge [sflag:s18], $0x3E80  }
0x83: {  	[sflag:s18] =	ssyncset.done $0x0  }
0x84: {  	s24 =	simm.s32 $0x1480;
	[sflag:s18] =	ssyncadd.s32 $0xFFFFC180  }
0x85: {  	[spmem:s16] =	stream.indirect.scatter.add.f32 [tilespmem:s17], [sflag:$0x3], $0x80, s24, s12, $0xb8;
	[tilespmem:$0x1E800] =	vst v63  }
0x86: {  	_ =	swait.ge [sflag:s10], $0x3E80  }
0x87: {  	[sflag:s10] =	ssyncset.done $0x0  }
0x88: {  	s22 =	simm.s32 $0x400;
	s23 =	simm.s32 $0x180;
	[sflag:s10] =	ssyncadd.s32 $0xFFFFC180  }
.LBB2_4:
0x89: {  	[tilespmem:s17], [sflag:$0x2] =	stream.indirect.gather [hbm4b:s15+s12], $0x80, s23, s12, $0xb8;
	[tilespmem:$0x1E800] =	vst v63  }
0x8a: {  	s23 =	smov.u32 s22  }
0x8b: {  	p0 =	sne.s32 s22, $0x4800;
	s22 =	sadd.s32 $0x400, s22;
	_ =	swait.ge [sflag:s9], $0x3E80  }
0x8c: {  	s23 =	sshra.s32 s23, $0x2;
	[sflag:s9] =	ssyncset.done $0x0  }
0x8d: {  	s24 =	sadd.s32 $0x1400, s23;
	[sflag:s9] =	ssyncadd.s32 $0xFFFFC180  }
0x8e: {  	[spmem:s16] =	stream.indirect.scatter.add.f32 [tilespmem:s8], [sflag:$0x3], $0x80, s24, s12, $0xb8;
	[tilespmem:$0x1E800] =	vst v63  }
0x8f: {  	_ =	swait.ge [sflag:s10], $0x3E80  }
0x90: {  	[sflag:s10] =	ssyncset.done $0x0  }
0x91: {  	s24 =	sadd.s32 $0x100, s23;
	[sflag:s10] =	ssyncadd.s32 $0xFFFFC180  }
0x92: {  	[tilespmem:s8], [sflag:$0x1] =	stream.indirect.gather [hbm4b:s15+s12], $0x80, s24, s12, $0xb8;
	[tilespmem:$0x1E800] =	vst v63  }
0x93: {  	_ =	swait.ge [sflag:s18], $0x3E80  }
0x94: {  	[sflag:s18] =	ssyncset.done $0x0  }
.Ltmp1:
0x95: {  	s24 =	sadd.s32 $0x1480, s23;
	[sflag:s18] =	ssyncadd.s32 $0xFFFFC180;
	(pc) =	sbr.rel @p0 .LBB2_4-.Ltmp1, $4  }
0x96: {  	[spmem:s16] =	stream.indirect.scatter.add.f32 [tilespmem:s17], [sflag:$0x3], $0x80, s24, s12, $0xb8;
	[tilespmem:$0x1E800] =	vst v63  }
0x97: {  	_ =	swait.ge [sflag:s10], $0x3E80  }
0x98: {  	[sflag:s10] =	ssyncset.done $0x0  }
0x99: {  	s23 =	sadd.s32 $0x180, s23;
	[sflag:s10] =	ssyncadd.s32 $0xFFFFC180  }
0x9a: {  	[tilespmem:s17], [sflag:$0x2] =	stream.indirect.gather [hbm4b:s15+s12], $0x80, s23, s12, $0xb8;
	[tilespmem:$0x1E800] =	vst v63  }
0x9b: {  	_ =	swait.ge [sflag:s9], $0x3E80  }
0x9c: {  	[sflag:s9] =	ssyncset.done $0x0  }
0x9d: {  	[sflag:s9] =	ssyncadd.s32 $0xFFFFC180  }
0x9e: {  	[spmem:s16] =	stream.indirect.scatter.add.f32 [tilespmem:s8], [sflag:$0x3], $0x80, s20, s12, $0xb8;
	[tilespmem:$0x1E800] =	vst v63  }
0x9f: {  	_ =	swait.ge [sflag:s10], $0x3E80  }
0xa0: {  	[sflag:s10] =	ssyncset.done $0x0  }
0xa1: {  	[sflag:s10] =	ssyncadd.s32 $0xFFFFC180  }
0xa2: {  	_ =	swait.ge [sflag:s18], $0x3E80  }
0xa3: {  	[sflag:s18] =	ssyncset.done $0x0  }
0xa4: {  	[sflag:s18] =	ssyncadd.s32 $0xFFFFC180  }
0xa5: {  	[spmem:s16] =	stream.indirect.scatter.add.f32 [tilespmem:s17], [sflag:$0x3], $0x80, s21, s12, $0xb8;
	[tilespmem:$0x1E800] =	vst v63  }
0xa6: {  	_ =	swait.ge [sflag:s10], $0x3E80  }
0xa7: {  	[sflag:s10] =	ssyncset.done $0x0  }
0xa8: {  	s22 =	simm.s32 $0x0;
	s24 =	rddreg [dreg:$0x6];
	[sflag:s10] =	ssyncadd.s32 $0xFFFFC180  }
0xa9: {  	[tilespmem:s22], [sflag:$0x3] =	stream.linear.gather [hbm4b:s24+s22], $0x1400, $0x38;
	[tilespmem:$0x1E800] =	vst v63  }
0xaa: {  	_ =	swait.ge [sflag:s10], $0x1400  }
0xab: {  	[sflag:s10] =	ssyncset.done $0x0  }
0xac: {  	s24 =	rddreg [dreg:$0x7];
	[sflag:s10] =	ssyncadd.s32 $0xFFFFEC00  }
0xad: {  	[tilespmem:s11], [sflag:$0x3] =	stream.linear.gather [hbm4b:s24+s22], $0x1400, $0x38;
	[tilespmem:$0x1E800] =	vst v63  }
0xae: {  	_ =	swait.ge [sflag:s10], $0x1400  }
0xaf: {  	[sflag:s10] =	ssyncset.done $0x0  }
0xb0: {  	[sflag:s10] =	ssyncadd.s32 $0xFFFFEC00  }
0xb1: {  	[tilespmem:s8], [sflag:$0x1] =	stream.indirect.gather [hbm4b:s15+s12], $0x80, s22, s12, $0xb8;
	[tilespmem:$0x1E800] =	vst v63  }
0xb2: {  	_ = 	snop  }
0xb3: {  	[tilespmem:s17], [sflag:$0x2] =	stream.indirect.gather [hbm4b:s15+s12], $0x80, s13, s12, $0xb8;
	[tilespmem:$0x1E800] =	vst v63  }
0xb4: {  	_ =	swait.ge [sflag:s9], $0x3E80  }
0xb5: {  	[sflag:s9] =	ssyncset.done $0x0  }
0xb6: {  	s24 =	simm.s32 $0x1400;
	[sflag:s9] =	ssyncadd.s32 $0xFFFFC180  }
0xb7: {  	[spmem:s16] =	stream.indirect.scatter.add.f32 [tilespmem:s8], [sflag:$0x3], $0x80, s24, s12, $0xb8;
	[tilespmem:$0x1E800] =	vst v63  }
0xb8: {  	_ =	swait.ge [sflag:s10], $0x3E80  }
0xb9: {  	[sflag:s10] =	ssyncset.done $0x0  }
0xba: {  	s23 =	simm.s32 $0x100;
	[sflag:s10] =	ssyncadd.s32 $0xFFFFC180  }
0xbb: {  	[tilespmem:s8], [sflag:$0x1] =	stream.indirect.gather [hbm4b:s15+s12], $0x80, s23, s12, $0xb8;
	[tilespmem:$0x1E800] =	vst v63  }
0xbc: {  	_ =	swait.ge [sflag:s18], $0x3E80  }
0xbd: {  	[sflag:s18] =	ssyncset.done $0x0  }
0xbe: {  	s24 =	simm.s32 $0x1480;
	[sflag:s18] =	ssyncadd.s32 $0xFFFFC180  }
0xbf: {  	[spmem:s16] =	stream.indirect.scatter.add.f32 [tilespmem:s17], [sflag:$0x3], $0x80, s24, s12, $0xb8;
	[tilespmem:$0x1E800] =	vst v63  }
0xc0: {  	_ =	swait.ge [sflag:s10], $0x3E80  }
0xc1: {  	[sflag:s10] =	ssyncset.done $0x0  }
0xc2: {  	s22 =	simm.s32 $0x400;
	s23 =	simm.s32 $0x180;
	[sflag:s10] =	ssyncadd.s32 $0xFFFFC180  }
.LBB2_6:
0xc3: {  	[tilespmem:s17], [sflag:$0x2] =	stream.indirect.gather [hbm4b:s15+s12], $0x80, s23, s12, $0xb8;
	[tilespmem:$0x1E800] =	vst v63  }
0xc4: {  	s23 =	smov.u32 s22  }
0xc5: {  	p0 =	sne.s32 s22, $0x4800;
	s22 =	sadd.s32 $0x400, s22;
	_ =	swait.ge [sflag:s9], $0x3E80  }
0xc6: {  	s23 =	sshra.s32 s23, $0x2;
	[sflag:s9] =	ssyncset.done $0x0  }
0xc7: {  	s24 =	sadd.s32 $0x1400, s23;
	[sflag:s9] =	ssyncadd.s32 $0xFFFFC180  }
0xc8: {  	[spmem:s16] =	stream.indirect.scatter.add.f32 [tilespmem:s8], [sflag:$0x3], $0x80, s24, s12, $0xb8;
	[tilespmem:$0x1E800] =	vst v63  }
0xc9: {  	_ =	swait.ge [sflag:s10], $0x3E80  }
0xca: {  	[sflag:s10] =	ssyncset.done $0x0  }
0xcb: {  	s24 =	sadd.s32 $0x100, s23;
	[sflag:s10] =	ssyncadd.s32 $0xFFFFC180  }
0xcc: {  	[tilespmem:s8], [sflag:$0x1] =	stream.indirect.gather [hbm4b:s15+s12], $0x80, s24, s12, $0xb8;
	[tilespmem:$0x1E800] =	vst v63  }
0xcd: {  	_ =	swait.ge [sflag:s18], $0x3E80  }
0xce: {  	[sflag:s18] =	ssyncset.done $0x0  }
.Ltmp2:
0xcf: {  	s24 =	sadd.s32 $0x1480, s23;
	[sflag:s18] =	ssyncadd.s32 $0xFFFFC180;
	(pc) =	sbr.rel @p0 .LBB2_6-.Ltmp2, $4  }
0xd0: {  	[spmem:s16] =	stream.indirect.scatter.add.f32 [tilespmem:s17], [sflag:$0x3], $0x80, s24, s12, $0xb8;
	[tilespmem:$0x1E800] =	vst v63  }
0xd1: {  	_ =	swait.ge [sflag:s10], $0x3E80  }
0xd2: {  	[sflag:s10] =	ssyncset.done $0x0  }
0xd3: {  	s23 =	sadd.s32 $0x180, s23;
	[sflag:s10] =	ssyncadd.s32 $0xFFFFC180  }
0xd4: {  	[tilespmem:s17], [sflag:$0x2] =	stream.indirect.gather [hbm4b:s15+s12], $0x80, s23, s12, $0xb8;
	[tilespmem:$0x1E800] =	vst v63  }
0xd5: {  	_ =	swait.ge [sflag:s9], $0x3E80  }
0xd6: {  	[sflag:s9] =	ssyncset.done $0x0  }
0xd7: {  	[sflag:s9] =	ssyncadd.s32 $0xFFFFC180  }
0xd8: {  	[spmem:s16] =	stream.indirect.scatter.add.f32 [tilespmem:s8], [sflag:$0x3], $0x80, s20, s12, $0xb8;
	[tilespmem:$0x1E800] =	vst v63  }
0xd9: {  	_ =	swait.ge [sflag:s10], $0x3E80  }
0xda: {  	[sflag:s10] =	ssyncset.done $0x0  }
0xdb: {  	[sflag:s10] =	ssyncadd.s32 $0xFFFFC180  }
0xdc: {  	_ =	swait.ge [sflag:s18], $0x3E80  }
0xdd: {  	[sflag:s18] =	ssyncset.done $0x0  }
0xde: {  	[sflag:s18] =	ssyncadd.s32 $0xFFFFC180  }
0xdf: {  	[spmem:s16] =	stream.indirect.scatter.add.f32 [tilespmem:s17], [sflag:$0x3], $0x80, s21, s12, $0xb8;
	[tilespmem:$0x1E800] =	vst v63  }
0xe0: {  	_ =	swait.ge [sflag:s10], $0x3E80  }
0xe1: {  	[sflag:s10] =	ssyncset.done $0x0  }
0xe2: {  	s22 =	stileid.u32;
	[sflag:s10] =	ssyncadd.s32 $0xFFFFC180  }
0xe3: {  	s22 =	sshll.u32 s22, $0x6;
	[bflag:$0x0] =	sbarrier.arrive $0xFFFF  }
0xe4: {  	s23 =	sshrl.u32 s19, $0x3;
	s22 =	sor.u32 $0x1C01, s22;
	s24 =	rddreg [dreg:$0x8]  }
0xe5: {  	[hbm:s24], [sflag:s22] =	dma.local [spmem:s23], $0x400  }
0xe6: {  	s23 =	rddreg [dreg:$0x9]  }
0xe7: {  	s24 =	rddreg [dreg:$0x13]  }
0xe8: {  	[hbm:s23], [sflag:s22] =	dma.local [spmem:s24], $0x400  }
0xe9: {  	s23 =	rddreg [dreg:$0xa]  }
0xea: {  	s24 =	rddreg [dreg:$0x14]  }
0xeb: {  	[hbm:s23], [sflag:s22] =	dma.local [spmem:s24], $0x400  }
0xec: {  	s23 =	rddreg [dreg:$0xb]  }
0xed: {  	s24 =	rddreg [dreg:$0x15]  }
0xee: {  	[hbm:s23], [sflag:s22] =	dma.local [spmem:s24], $0x400  }
0xef: {  	s23 =	rddreg [dreg:$0xc]  }
0xf0: {  	s24 =	rddreg [dreg:$0x16]  }
0xf1: {  	[hbm:s23], [sflag:s22] =	dma.local [spmem:s24], $0x400  }
0xf2: {  	s23 =	rddreg [dreg:$0xd]  }
0xf3: {  	[hbm:s23], [sflag:s22] =	dma.local [spmem:s25], $0x400  }
0xf4: {  	s23 =	rddreg [dreg:$0xe]  }
0xf5: {  	[hbm:s23], [sflag:s22] =	dma.local [spmem:s26], $0x400  }
0xf6: {  	s23 =	rddreg [dreg:$0xf]  }
0xf7: {  	[hbm:s23], [sflag:s22] =	dma.local [spmem:s28], $0x400  }
0xf8: {  	s23 =	rddreg [dreg:$0x10]  }
0xf9: {  	[hbm:s23], [sflag:s22] =	dma.local [spmem:s29], $0x400  }
0xfa: {  	s23 =	rddreg [dreg:$0x11]  }
0xfb: {  	[hbm:s23], [sflag:s22] =	dma.local [spmem:s30], $0x400  }
0xfc: {  	_ =	swait.ge [sflag:s9], $0x400  }
0xfd: {  	[sflag:s9] =	ssyncset.done $0x0  }
0xfe: {  	[sflag:s9] =	ssyncadd.s32 $0xFFFFFC00  }
0xff: {  	_ =	swait.ge [sflag:s9], $0x400  }
0x100: {  	[sflag:s9] =	ssyncset.done $0x0  }
0x101: {  	[sflag:s9] =	ssyncadd.s32 $0xFFFFFC00  }
0x102: {  	_ =	swait.ge [sflag:s9], $0x400  }
0x103: {  	[sflag:s9] =	ssyncset.done $0x0  }
0x104: {  	[sflag:s9] =	ssyncadd.s32 $0xFFFFFC00  }
0x105: {  	_ =	swait.ge [sflag:s9], $0x400  }
0x106: {  	[sflag:s9] =	ssyncset.done $0x0  }
0x107: {  	[sflag:s9] =	ssyncadd.s32 $0xFFFFFC00  }
0x108: {  	_ =	swait.ge [sflag:s9], $0x400  }
0x109: {  	[sflag:s9] =	ssyncset.done $0x0  }
0x10a: {  	[sflag:s9] =	ssyncadd.s32 $0xFFFFFC00  }
0x10b: {  	_ =	swait.ge [sflag:s9], $0x400  }
0x10c: {  	[sflag:s9] =	ssyncset.done $0x0  }
0x10d: {  	[sflag:s9] =	ssyncadd.s32 $0xFFFFFC00  }
0x10e: {  	_ =	swait.ge [sflag:s9], $0x400  }
0x10f: {  	[sflag:s9] =	ssyncset.done $0x0  }
0x110: {  	[sflag:s9] =	ssyncadd.s32 $0xFFFFFC00  }
0x111: {  	_ =	swait.ge [sflag:s9], $0x400  }
0x112: {  	[sflag:s9] =	ssyncset.done $0x0  }
0x113: {  	[sflag:s9] =	ssyncadd.s32 $0xFFFFFC00  }
0x114: {  	_ =	swait.ge [sflag:s9], $0x400  }
0x115: {  	[sflag:s9] =	ssyncset.done $0x0  }
0x116: {  	[sflag:s9] =	ssyncadd.s32 $0xFFFFFC00  }
0x117: {  	_ =	swait.ge [sflag:s9], $0x400  }
0x118: {  	s1 =	sadd.s32 $0x1, s1;
	s24 =	rddreg [dreg:$0x12]  }
0x119: {  	p0 =	sne.s32 s1, s24  }
.Ltmp3:
0x11a: {  	_ = 	snop;
	(pc) =	sbr.rel @p0 .LBB2_1-.Ltmp3, $3  }
0x11b: {  	_ =	sdelay $0x1  }
0x11c: {  	[sflag:s9] =	ssyncset.done $0x0  }
0x11d: {  	[sflag:s9] =	ssyncadd.s32 $0xFFFFFC00  }
0x11e: {  	_ =	sfence.sel $0x180000  }
0x11f: {  	[bflag:$0x0] =	sbarrier.arrive $0xFFFF  }
0x120: {  	_ =	strace $0x9000004A  }
0x121: {  	s0 =	stileid.u32;
	[bflag:$0x2] =	sbarrier.arrive $0xFFFF  }
0x122: {  	p0 =	sne.s32 s0, $0x0;
	s0 =	rddreg [dreg:$0x3]  }
0x123: {  	s0 =	sadd.s32 @!p0 $0x100000, s0  }
0x124: {  	[sflag:s0] =	ssyncadd.tile.s32 @!p0 $0x1;
	_ =	shalt  }
.Lfunc_end2:
_tile_overlayer_lowered:
.L_overlay_start_2:
0x125: {  	(tag) =	ssettag $0x2  }
0x126: {  	s0 =	rddreg [dreg:$0x0];
	s2 =	stileid.u32  }
0x127: {  	s1 =	rddreg [dreg:$0x1];
	p0 =	sne.s32 s2, $0x0  }
0x128: {  	s3 =	rddreg [dreg:$0x2];
	[bflag:$0x3] =	sbarrier.arrive $0xFFFF;
	s2 =	simm.s32 @!p0 $0x1C03  }
0x129: {  	[timem:s3], [sflag:s2] =	dma.local @!p0 [hbm:s0], s1  }
0x12a: {  	s0 =	simm.s32 @!p0 $0x3  }
0x12b: {  	_ =	swait.ge @!p0 [sflag:s0], s1  }
0x12c: {  	s1 =	ssub.s32 @!p0 $0x0, s1;
	[sflag:s0] =	ssyncset.done @!p0 $0x0  }
0x12d: {  	[sflag:s0] =	ssyncadd.s32 @!p0 s1  }
0x12e: {  	[bflag:$0x3] =	sbarrier.arrive $0xFFFF  }
0x12f: {  	_ =	shalt  }

// kernel: kernel.13.cloned.1.call-start
scs
__scs_entry_jumppad:
0x0: {  	(pc) =	sbr.rel $0x88, $3  }
0x1: {  	(tag) =	ssettag $0x0;
	lr =	simm.s32 $0x1  }
0x2: {  	[smem:$0x3F92] =	sst lr;
	_ =	strace $0xD0000000  }
0x3: {  	_ = 	snop  }
0x4: {  	_ = 	snop  }
0x5: {  	_ = 	snop  }
0x6: {  	_ = 	snop  }
0x7: {  	_ = 	snop  }
__scs_overlays_trampoline_lowered:
0x8: {  	[smem:$0x3FA1] =	sst s0  }
0x9: {  	[smem:$0x3FA2] =	sst s1  }
0xa: {  	[smem:$0x3FA3] =	sst s2  }
0xb: {  	[smem:$0x3FA4] =	sst s3  }
0xc: {  	[smem:$0x3FA5] =	sst s4  }
0xd: {  	[smem:$0x3FA6] =	sst s5  }
0xe: {  	[smem:$0x3FA7] =	sst s6  }
0xf: {  	[smem:$0x3FA8] =	sst s7  }
0x10: {  	[smem:$0x3FA9] =	sst s8  }
0x11: {  	[smem:$0x3FAA] =	sst s9;
	s0 =	simm.s32 @!p0 $0x0  }
0x12: {  	s1 =	sld [smem:$0x3F90];
	s0 =	simm.s32 @p0 $0x1  }
0x13: {  	[smem:$0x3FAB] =	sst s0;
	s0 =	simm.s32 @!p1 $0x0  }
0x14: {  	s2 =	sld [smem:$0x3F8F];
	s0 =	simm.s32 @p1 $0x1  }
0x15: {  	[smem:$0x3FAC] =	sst s0;
	s0 =	simm.s32 @!p2 $0x0  }
0x16: {  	s3 =	sld [smem:$0x3FDB];
	s0 =	simm.s32 @p2 $0x1  }
0x17: {  	s4 =	simm.s32 $0x1BF5;
	[smem:$0x3FAE] =	sst s0  }
0x18: {  	s0 =	sld [smem:$0x3F91];
	_ =	swait.ge [sflag:s4], $0x0  }
0x19: {  	s7 =	sld [smem:$0x3F92]  }
0x1a: {  	s8 =	sadd.s32 $0xFFFFE003, lr  }
0x1b: {  	s9 =	sadd.s32 $0xFFFFFEF7, lr;
	s5 =	simm.s32 $0xFFFFFFFF;
	p2 =	slt.u32 s8, $0xFFFFF086  }
0x1c: {  	p1 =	slt.u32 s9, $0xF7A;
	s5 =	simm.s32 @!p2 $0x0  }
0x1d: {  	s5 =	simm.s32 @p1 $0x1;
	p0 =	seq.s32 s7, s2  }
0x1e: {  	s7 =	smul.u32 @!p0 $0xF7A, s2;
	p2 =	seq.s32 @!p0 s5, $0x0  }
0x1f: {  	s9 =	smul.u32 $0xF7A, s1;
	s8 =	simm.s32 @!p0 $0x1BF5;
	p2 =	por !p2, p0  }
0x20: {  	[sflag:s8] =	ssyncset.s32 @!p0 $0xFFFFF086;
	s6 =	sadd.s32 @!p0 s3, s7;
	s7 =	simm.s32 @!p0 $0x108  }
0x21: {  	s3 =	sadd.s32 s3, s9;
	s6 =	sadd.s32 @!p0 $0x88, s6;
	s7 =	simm.s32 @p2 $0x1082  }
0x22: {  	[simem:s7], [sflag:s8] =	dma.local @!p0 [hbm:s6], $0xF7A  }
0x23: {  	s9 =	sor.u32 $0xD0000000, s2;
	s6 =	simm.s32 $0x108;
	_ =	swait.ge @!p0 [sflag:s8], $0x0  }
0x24: {  	s3 =	sadd.s32 $0x88, s3;
	s6 =	simm.s32 @!p1 $0x1082;
	[sflag:s4] =	ssyncset.s32 $0xFFFFF086  }
0x25: {  	[simem:s6], [sflag:s4] =	dma.local [hbm:s3], $0xF7A  }
0x26: {  	[smem:$0x3F92] =	sst s1;
	(tag) =	ssettag s2;
	_ =	strace s9  }
0x27: {  	s1 =	sld [smem:$0x3FA2]  }
0x28: {  	s2 =	sld [smem:$0x3FA3]  }
0x29: {  	s4 =	sld [smem:$0x3FA5]  }
0x2a: {  	p0 =	seq.s32 s5, $0x0;
	s5 =	sld [smem:$0x3FA6]  }
0x2b: {  	s6 =	sld [smem:$0x3FA7]  }
0x2c: {  	s7 =	sld [smem:$0x3FA8]  }
0x2d: {  	s3 =	simm.s32 $0x108;
	s8 =	sld [smem:$0x3FA9]  }
0x2e: {  	s3 =	simm.s32 @!p0 $0x1082;
	s9 =	sld [smem:$0x3FAA]  }
0x2f: {  	lr =	sadd.s32 s0, s3;
	s0 =	sld [smem:$0x3FA1]  }
0x30: {  	s3 =	sld [smem:$0x3FA4]  }
0x31: {  	[smem:$0x3FAD] =	sst s10  }
0x32: {  	s10 =	sld [smem:$0x3FAB];
	_ =	sdelay $0x3  }
0x33: {  	p0 =	seq.s32 s10, $0x1;
	s10 =	sld [smem:$0x3FAD];
	_ =	sdelay $0x3  }
0x34: {  	[smem:$0x3FAD] =	sst s10  }
0x35: {  	s10 =	sld [smem:$0x3FAC];
	_ =	sdelay $0x3  }
0x36: {  	p1 =	seq.s32 s10, $0x1;
	s10 =	sld [smem:$0x3FAD];
	_ =	sdelay $0x3  }
0x37: {  	[smem:$0x3FAD] =	sst s10  }
0x38: {  	s10 =	sld [smem:$0x3FAE]  }
0x39: {  	_ = 	snop;
	(pc) =	sbr.ind lr, $3  }
0x3a: {  	_ = 	snop  }
0x3b: {  	_ = 	snop  }
0x3c: {  	p2 =	seq.s32 s10, $0x1;
	s10 =	sld [smem:$0x3FAD]  }
0x3d: {  	_ =	shalt  }
0x3e: {  	_ =	shalt  }
0x3f: {  	_ =	shalt  }
0x40: {  	_ =	shalt  }
0x41: {  	_ =	shalt  }
0x42: {  	_ =	shalt  }
0x43: {  	_ =	shalt  }
0x44: {  	_ =	shalt  }
0x45: {  	_ =	shalt  }
0x46: {  	_ =	shalt  }
0x47: {  	_ =	shalt  }
0x48: {  	_ =	shalt  }
0x49: {  	_ =	shalt  }
0x4a: {  	_ =	shalt  }
0x4b: {  	_ =	shalt  }
0x4c: {  	_ =	shalt  }
0x4d: {  	_ =	shalt  }
0x4e: {  	_ =	shalt  }
0x4f: {  	_ =	shalt  }
0x50: {  	_ =	shalt  }
0x51: {  	_ =	shalt  }
0x52: {  	_ =	shalt  }
0x53: {  	_ =	shalt  }
0x54: {  	_ =	shalt  }
0x55: {  	_ =	shalt  }
0x56: {  	_ =	shalt  }
0x57: {  	_ =	shalt  }
0x58: {  	_ =	shalt  }
0x59: {  	_ =	shalt  }
0x5a: {  	_ =	shalt  }
0x5b: {  	_ =	shalt  }
0x5c: {  	_ =	shalt  }
0x5d: {  	_ =	shalt  }
0x5e: {  	_ =	shalt  }
0x5f: {  	_ =	shalt  }
0x60: {  	_ =	shalt  }
0x61: {  	_ =	shalt  }
0x62: {  	_ =	shalt  }
0x63: {  	_ =	shalt  }
0x64: {  	_ =	shalt  }
0x65: {  	_ =	shalt  }
0x66: {  	_ =	shalt  }
0x67: {  	_ =	shalt  }
0x68: {  	_ =	shalt  }
0x69: {  	_ =	shalt  }
0x6a: {  	_ =	shalt  }
0x6b: {  	_ =	shalt  }
0x6c: {  	_ =	shalt  }
0x6d: {  	_ =	shalt  }
0x6e: {  	_ =	shalt  }
0x6f: {  	_ =	shalt  }
0x70: {  	_ =	shalt  }
0x71: {  	_ =	shalt  }
0x72: {  	_ =	shalt  }
0x73: {  	_ =	shalt  }
0x74: {  	_ =	shalt  }
0x75: {  	_ =	shalt  }
0x76: {  	_ =	shalt  }
0x77: {  	_ =	shalt  }
0x78: {  	_ =	shalt  }
0x79: {  	_ =	shalt  }
0x7a: {  	_ =	shalt  }
0x7b: {  	_ =	shalt  }
0x7c: {  	_ =	shalt  }
0x7d: {  	_ =	shalt  }
0x7e: {  	_ =	shalt  }
0x7f: {  	_ =	shalt  }
0x80: {  	_ =	shalt  }
0x81: {  	_ =	shalt  }
0x82: {  	_ =	shalt  }
0x83: {  	_ =	shalt  }
0x84: {  	_ =	shalt  }
0x85: {  	_ =	shalt  }
0x86: {  	_ =	shalt  }
0x87: {  	_ =	shalt  }
.Lfunc_end0:
.L_simem_size_0:
called_computation.2_lowered:
.L_overlay_start_0:
0x88: {  	s2 =	sld [smem:$0x3FD9]  }
0x89: {  	s3 =	sld [smem:$0x3FFE];
	_ =	sdelay $0x1  }
0x8a: {  	s1 =	srdreg.scid  }
0x8b: {  	s0 =	sand.u32 $0x1, s1  }
0x8c: {  	s17 =	sshll.u32 s0, $0xA;
	s2 =	sadd.s32 s3, s2  }
0x8d: {  	s2 =	sadd.s32 s2, s17  }
0x8e: {  	[smem:$0x3FB9] =	sst s2  }
0x8f: {  	_ = 	snop  }
0x90: {  	s2 =	sld [smem:$0x3FD0];
	(tm) =	ssettm $0x1  }
0x91: {  	s18 =	sld [smem:$0x3FFB];
	_ =	sdelay $0x3  }
0x92: {  	_ =	strace s18  }
0x93: {  	s3 =	sld [smem:$0x3FFC];
	_ =	sdelay $0x3  }
0x94: {  	_ =	strace s3  }
0x95: {  	s3 =	sld [smem:$0x3FFD];
	_ =	sdelay $0x3  }
0x96: {  	_ =	strace s3  }
0x97: {  	_ =	strace $0x8FFFFFFF  }
0x98: {  	s19 =	sld [smem:$0x3FDB];
	_ =	sdelay $0x1  }
0x99: {  	s4 =	simm.s32 $_scs_section_size  }
0x9a: {  	s5 =	simm.s32 $_size__tile_overlayer_lowered;
	s6 =	simm.s32 $_tile_overlayer_lowered  }
0x9b: {  	s22 =	simm.s32 $0x1BFF;
	s21 =	sshll.u32 s6, $0x1;
	s3 =	sadd.s32 s4, s19  }
0x9c: {  	s7 =	simm.s32 $0x0;
	s20 =	sshll.u32 s5, $0x1;
	s5 =	sadd.s32 s21, s3  }
0x9d: {  	[timem:s7], [sflag:s22] =	dma.local [hbm:s5], s20  }
0x9e: {  	_ =	swait.ge [sflag:s22], s20  }
0x9f: {  	s4 =	ssub.s32 $0x0, s20;
	[sflag:s22] =	ssyncset.done $0x0  }
0xa0: {  	[sflag:s22] =	ssyncadd.s32 s4;
	_ =	sdelay $0x1  }
0xa1: {  	s23 =	simm.s32 $0x1B8B  }
0xa2: {  	_ =	swait.ge [sflag:s23], $0x1  }
0xa3: {  	[sflag:s23] =	ssyncset.done $0x0  }
0xa4: {  	s25 =	simm.s32 $0x1B8E;
	s24 =	sld [smem:$0x3FFE];
	[sflag:s23] =	ssyncadd.s32 $0xFFFFFFFF  }
0xa5: {  	s26 =	simm.s32 $execute0_lowered;
	[smem:$0x3FD2] =	sst s25  }
0xa6: {  	s5 =	sshll.u32 s26, $0x1;
	_ =	strace $0x8000004C;
	[dreg:$0x1] =	wrdreg $0xFFFFFFFF  }
0xa7: {  	s28 =	simm.s32 $_size_execute0_lowered;
	s3 =	sadd.s32 s3, s5;
	[dreg:$0x0] =	wrdreg $0x0  }
0xa8: {  	s5 =	sshll.u32 s28, $0x1;
	[dreg:$0x2] =	wrdreg s3  }
0xa9: {  	[dreg:$0x3] =	wrdreg s5  }
0xaa: {  	[dreg:$0x4] =	wrdreg $0xC0  }
0xab: {  	_ =	task [dreg:s7], $0x5FFFF  }
0xac: {  	[dreg:$0x1] =	wrdreg $0xFFFFFFFF  }
0xad: {  	[dreg:$0x0] =	wrdreg $0x60  }
0xae: {  	[dreg:$0x2] =	wrdreg s2  }
0xaf: {  	[dreg:$0x3] =	wrdreg s24  }
0xb0: {  	[dreg:$0x4] =	wrdreg $0xA8000  }
0xb1: {  	[dreg:$0x5] =	wrdreg $0x9  }
0xb2: {  	_ =	task.clear_ibuf [dreg:s7], $0x6FFFF;
	_ =	strace $0x9000004C  }
0xb3: {  	s29 =	simm.s32 $0x9;
	_ =	strace $0x8000004E  }
0xb4: {  	_ =	swait.ge [sflag:s29], $0x1  }
0xb5: {  	[sflag:s29] =	ssyncadd.s32 $0xFFFFFFFF  }
0xb6: {  	_ =	strace $0x9000004E  }
0xb7: {  	_ =	sfence  }
0xb8: {  	s30 =	sld [smem:$0x0];
	_ =	sdelay $0x2  }
0xb9: {  	s31 =	sshll.u32 s1, $0xD;
	s1 =	sshrl.u32 s1, $0x2  }
0xba: {  	s3 =	sand.u32 $0x4000, s31;
	s1 =	sadd.s32 s1, s30  }
0xbb: {  	s0 =	sor.u32 s3, s0;
	s1 =	sshll.u32 s1, $0x11  }
0xbc: {  	s0 =	sor.u32 s1, s0  }
0xbd: {  	s0 =	sadd.s32 $0x8F2B, s0  }
0xbe: {  	[sflag:s0] =	ssyncadd.remote.s32 $0x1  }
0xbf: {  	_ =	sfence.sel $0xFFFF  }
0xc0: {  	[dreg:$0x0] =	wrdreg $0xFFFFFFFF;
	(pc) =	sbr.abs _section_cstart, $3  }
0xc1: {  	[dreg:$0x1] =	wrdreg $0xFFFFFFFF  }
0xc2: {  	_ =	task.clear_ibuf [dreg:s7], $0x2FFFF;
	_ =	strace $0x9FFFFFFF  }
0xc3: {  	(tm) =	ssettm $0x7FFFFFFF  }
tec
execute0_lowered:
.L_overlay_start_1:
0x0: {  	(tag) =	ssettag $0x1  }
0x1: {  	s0 =	srdreg.scid;
	s17 =	stileid.u32  }
0x2: {  	s2 =	rddreg [dreg:$0x1];
	s1 =	simm.s32 $0x0;
	s4 =	smul.u32 $0x2800, s17  }
0x3: {  	s0 =	sand.u32 $0x1, s0;
	[smem:$0x7FF] =	sst s1;
	s26 =	smul.u32 $0x14000, s17  }
0x4: {  	s5 =	sadd.s32 $0x5DC00, s2;
	s6 =	sadd.s32 $0x3C00, s2;
	s3 =	smul.u32 $0x28000, s0  }
0x5: {  	s2 =	sadd.s32 $0x67C00, s2;
	s7 =	ssub.s32 $0x2, s0;
	s0 =	smul.u32 $0x140000, s0  }
0x6: {  	s8 =	sshrl.u32 s7, $0x1;
	s18 =	sadd.s32 $0x6000, s26;
	s22 =	sadd.s32 $0xC000, s26  }
0x7: {  	s3 =	sadd.s32 s4, s3;
	s4 =	ssub.s32 s7, s8;
	s13 =	sadd.s32 s0, s26  }
0x8: {  	s8 =	sadd.s32 $0x4000, s26;
	s19 =	sadd.s32 s0, s18;
	s3 =	sshrl.u32 s3, $0x3  }
0x9: {  	s23 =	sadd.s32 s0, s22;
	s7 =	sadd.s32 $0x12000, s26;
	s9 =	sadd.s32 s5, s3  }
0xa: {  	s10 =	sadd.s32 $0x280, s3;
	s3 =	sadd.s32 s6, s3;
	[dreg:$0x4] =	wrdreg s9  }
0xb: {  	s16 =	sadd.s32 s0, s8;
	s4 =	smax.u32 s4, $0x1;
	[dreg:$0x5] =	wrdreg s3  }
0xc: {  	s11 =	sadd.s32 s5, s10;
	s3 =	sor.u32 $0x2000, s26;
	s12 =	sadd.s32 s6, s10  }
0xd: {  	s5 =	sshrl.u32 s13, $0x3;
	s9 =	sadd.s32 $0x8000, s26;
	[dreg:$0x6] =	wrdreg s11  }
0xe: {  	[dreg:$0x7] =	wrdreg s12;
	s14 =	sadd.s32 s0, s3;
	s5 =	sadd.s32 s2, s5  }
0xf: {  	s10 =	sadd.s32 s0, s9;
	s11 =	sadd.s32 $0xA000, s26;
	s12 =	sadd.s32 $0xE000, s26  }
0x10: {  	s6 =	sshrl.u32 s14, $0x3;
	[dreg:$0x8] =	wrdreg s5;
	s5 =	sshrl.u32 s16, $0x3  }
0x11: {  	s10 =	sshrl.u32 s10, $0x3;
	s21 =	sadd.s32 s0, s11;
	s13 =	sadd.s32 s0, s12  }
0x12: {  	s14 =	sadd.s32 $0x10000, s26;
	s16 =	rddreg [dreg:$0x2];
	s26 =	smul.u32 $0x50000, s17  }
0x13: {  	s15 =	sadd.s32 s2, s6;
	s5 =	sadd.s32 s2, s5;
	s20 =	sadd.s32 s2, s10  }
0x14: {  	s13 =	sshrl.u32 s13, $0x3;
	s25 =	sadd.s32 s0, s14;
	s0 =	sadd.s32 s0, s7  }
0x15: {  	s17 =	sadd.s32 s18, s16;
	s18 =	sadd.s32 s9, s16;
	[dreg:$0x9] =	wrdreg s15  }
0x16: {  	s7 =	sadd.s32 s7, s16;
	s9 =	simm.s32 $0x1;
	[dreg:$0xa] =	wrdreg s5  }
0x17: {  	s10 =	simm.s32 $0x3;
	s5 =	sshrl.u32 s19, $0x3;
	[dreg:$0xc] =	wrdreg s20  }
0x18: {  	s24 =	sadd.s32 s2, s13;
	s15 =	rddreg [dreg:$0x0];
	s0 =	sshrl.u32 s0, $0x3  }
0x19: {  	s13 =	sadd.s32 s8, s16;
	s20 =	sadd.s32 s11, s16;
	s30 =	sshrl.u32 s7, $0x3  }
0x1a: {  	s8 =	simm.s32 $0x2800;
	s11 =	simm.s32 $0x1400;
	s5 =	sadd.s32 s2, s5  }
0x1b: {  	[dreg:$0xf] =	wrdreg s24;
	s0 =	sadd.s32 s2, s0;
	s24 =	sshrl.u32 s13, $0x3  }
0x1c: {  	s13 =	simm.s32 $0x80;
	[dreg:$0xb] =	wrdreg s5;
	s5 =	sshrl.u32 s21, $0x3  }
0x1d: {  	[dreg:$0x11] =	wrdreg s0;
	s21 =	sadd.s32 s22, s16;
	s5 =	sadd.s32 s2, s5  }
0x1e: {  	s22 =	sadd.s32 s12, s16;
	[dreg:$0xd] =	wrdreg s5;
	s5 =	sshrl.u32 s23, $0x3  }
0x1f: {  	s12 =	simm.s32 $0x7D;
	s28 =	sshrl.u32 s22, $0x3;
	s5 =	sadd.s32 s2, s5  }
0x20: {  	s23 =	sadd.s32 s14, s16;
	[dreg:$0xe] =	wrdreg s5;
	s5 =	sshrl.u32 s25, $0x3  }
0x21: {  	s29 =	sshrl.u32 s23, $0x3;
	s25 =	sshrl.u32 s17, $0x3;
	s5 =	sadd.s32 s2, s5  }
0x22: {  	s17 =	simm.s32 $0x6800;
	s2 =	sshrl.u32 s26, $0x2;
	[dreg:$0x10] =	wrdreg s5  }
0x23: {  	s26 =	sshrl.u32 s18, $0x3;
	_ =	strace $0x8000004D;
	[dreg:$0x12] =	wrdreg s4  }
0x24: {  	s18 =	simm.s32 $0x2;
	s5 =	sadd.s32 s3, s16;
	[dreg:$0x14] =	wrdreg s24  }
0x25: {  	s19 =	sadd.s32 s2, s16;
	s0 =	sshrl.u32 s5, $0x3;
	[dreg:$0x15] =	wrdreg s25  }
0x26: {  	[dreg:$0x16] =	wrdreg s26;
	s25 =	sshrl.u32 s20, $0x3;
	s26 =	sshrl.u32 s21, $0x3  }
0x27: {  	s31 =	sadd.s32 $0x2000, s19;
	s14 =	sadd.s32 $0x4000, s19;
	s2 =	sadd.s32 $0x8000, s19  }
0x28: {  	s3 =	sadd.s32 $0xA000, s19;
	s4 =	sadd.s32 $0xC000, s19;
	s5 =	sadd.s32 $0xE000, s19  }
0x29: {  	s6 =	sadd.s32 $0x10000, s19;
	s7 =	sadd.s32 $0x12000, s19;
	s20 =	simm.s32 $0x2700  }
0x2a: {  	v0 =	vimm.f32 $0.0e+00;
	s21 =	simm.s32 $0x2780;
	[dreg:$0x13] =	wrdreg s0;
	s0 =	sadd.s32 $0x6000, s19  }
.LBB2_1:
0x2b: {  	s22 =	simm.s32 $0x0;
	s23 =	simm.s32 $0x200  }
.LBB2_2:
0x2c: {  	p0 =	sne.s32 s23, $0x7E00;
	[tilespmem:s22+$0x2870] =	vst v0  }
0x2d: {  	[tilespmem:s22+$0x2800] =	vst v0  }
0x2e: {  	[tilespmem:s22+$0x2810] =	vst v0  }
.Ltmp0:
0x2f: {  	[tilespmem:s22+$0x2820] =	vst v0;
	(pc) =	sbr.rel @p0 .LBB2_2-.Ltmp0, $4  }
0x30: {  	[tilespmem:s22+$0x2830] =	vst v0  }
0x31: {  	[tilespmem:s22+$0x2840] =	vst v0  }
0x32: {  	[tilespmem:s22+$0x2850] =	vst v0  }
0x33: {  	[tilespmem:s22+$0x2860] =	vst v0;
	s22 =	sshra.s32 s23, $0x2;
	s23 =	sadd.s32 $0x200, s23  }
0x34: {  	[tilespmem:s22+$0x2870] =	vst v0  }
0x35: {  	[tilespmem:s22+$0x2800] =	vst v0  }
0x36: {  	[tilespmem:s22+$0x2810] =	vst v0  }
0x37: {  	[tilespmem:s22+$0x2820] =	vst v0  }
0x38: {  	[tilespmem:s22+$0x2830] =	vst v0  }
0x39: {  	[tilespmem:s22+$0x2840] =	vst v0  }
0x3a: {  	[tilespmem:s22+$0x2850] =	vst v0  }
0x3b: {  	[tilespmem:s22+$0x2860] =	vst v0  }
0x3c: {  	[spmem:s19] =	stream.linear.scatter [tilespmem:s8], [sflag:$0x1], $0x2000, $0x38;
	[tilespmem:$0x1E800] =	vst v63  }
0x3d: {  	_ = 	snop  }
0x3e: {  	[spmem:s31] =	stream.linear.scatter [tilespmem:s8], [sflag:$0x1], $0x2000, $0x38;
	[tilespmem:$0x1E800] =	vst v63  }
0x3f: {  	_ = 	snop  }
0x40: {  	[spmem:s14] =	stream.linear.scatter [tilespmem:s8], [sflag:$0x1], $0x2000, $0x38;
	[tilespmem:$0x1E800] =	vst v63  }
0x41: {  	_ = 	snop  }
0x42: {  	[spmem:s0] =	stream.linear.scatter [tilespmem:s8], [sflag:$0x1], $0x2000, $0x38;
	[tilespmem:$0x1E800] =	vst v63  }
0x43: {  	_ = 	snop  }
0x44: {  	[spmem:s2] =	stream.linear.scatter [tilespmem:s8], [sflag:$0x1], $0x2000, $0x38;
	[tilespmem:$0x1E800] =	vst v63  }
0x45: {  	_ = 	snop  }
0x46: {  	[spmem:s3] =	stream.linear.scatter [tilespmem:s8], [sflag:$0x1], $0x2000, $0x38;
	[tilespmem:$0x1E800] =	vst v63  }
0x47: {  	_ = 	snop  }
0x48: {  	[spmem:s4] =	stream.linear.scatter [tilespmem:s8], [sflag:$0x1], $0x2000, $0x38;
	[tilespmem:$0x1E800] =	vst v63  }
0x49: {  	_ = 	snop  }
0x4a: {  	[spmem:s5] =	stream.linear.scatter [tilespmem:s8], [sflag:$0x1], $0x2000, $0x38;
	[tilespmem:$0x1E800] =	vst v63  }
0x4b: {  	_ = 	snop  }
0x4c: {  	[spmem:s6] =	stream.linear.scatter [tilespmem:s8], [sflag:$0x1], $0x2000, $0x38;
	[tilespmem:$0x1E800] =	vst v63  }
0x4d: {  	_ = 	snop  }
0x4e: {  	[spmem:s7] =	stream.linear.scatter [tilespmem:s8], [sflag:$0x1], $0x2000, $0x38;
	[tilespmem:$0x1E800] =	vst v63  }
0x4f: {  	_ =	swait.ge [sflag:s9], $0x2000  }
0x50: {  	[sflag:s9] =	ssyncset.done $0x0  }
0x51: {  	[sflag:s9] =	ssyncadd.s32 $0xFFFFE000  }
0x52: {  	_ =	swait.ge [sflag:s9], $0x2000  }
0x53: {  	[sflag:s9] =	ssyncset.done $0x0  }
0x54: {  	[sflag:s9] =	ssyncadd.s32 $0xFFFFE000  }
0x55: {  	_ =	swait.ge [sflag:s9], $0x2000  }
0x56: {  	[sflag:s9] =	ssyncset.done $0x0  }
0x57: {  	[sflag:s9] =	ssyncadd.s32 $0xFFFFE000  }
0x58: {  	_ =	swait.ge [sflag:s9], $0x2000  }
0x59: {  	[sflag:s9] =	ssyncset.done $0x0  }
0x5a: {  	[sflag:s9] =	ssyncadd.s32 $0xFFFFE000  }
0x5b: {  	_ =	swait.ge [sflag:s9], $0x2000  }
0x5c: {  	[sflag:s9] =	ssyncset.done $0x0  }
0x5d: {  	[sflag:s9] =	ssyncadd.s32 $0xFFFFE000  }
0x5e: {  	_ =	swait.ge [sflag:s9], $0x2000  }
0x5f: {  	[sflag:s9] =	ssyncset.done $0x0  }
0x60: {  	[sflag:s9] =	ssyncadd.s32 $0xFFFFE000  }
0x61: {  	_ =	swait.ge [sflag:s9], $0x2000  }
0x62: {  	[sflag:s9] =	ssyncset.done $0x0  }
0x63: {  	[sflag:s9] =	ssyncadd.s32 $0xFFFFE000  }
0x64: {  	_ =	swait.ge [sflag:s9], $0x2000  }
0x65: {  	[sflag:s9] =	ssyncset.done $0x0  }
0x66: {  	[sflag:s9] =	ssyncadd.s32 $0xFFFFE000  }
0x67: {  	_ =	swait.ge [sflag:s9], $0x2000  }
0x68: {  	[sflag:s9] =	ssyncset.done $0x0  }
0x69: {  	[sflag:s9] =	ssyncadd.s32 $0xFFFFE000  }
0x6a: {  	_ =	swait.ge [sflag:s9], $0x2000  }
0x6b: {  	[sflag:s9] =	ssyncset.done $0x0  }
0x6c: {  	[sflag:s9] =	ssyncadd.s32 $0xFFFFE000  }
0x6d: {  	[bflag:$0x0] =	sbarrier.arrive $0xFFFF  }
0x6e: {  	s22 =	simm.s32 $0x0;
	s23 =	rddreg [dreg:$0x4]  }
0x6f: {  	[tilespmem:s22], [sflag:$0x3] =	stream.linear.gather [hbm4b:s23+s22], $0x1400, $0x38;
	[tilespmem:$0x1E800] =	vst v63  }
0x70: {  	_ =	swait.ge [sflag:s10], $0x1400  }
0x71: {  	[sflag:s10] =	ssyncset.done $0x0  }
0x72: {  	s24 =	rddreg [dreg:$0x5];
	[sflag:s10] =	ssyncadd.s32 $0xFFFFEC00  }
0x73: {  	[tilespmem:s11], [sflag:$0x3] =	stream.linear.gather [hbm4b:s24+s22], $0x1400, $0x38;
	[tilespmem:$0x1E800] =	vst v63  }
0x74: {  	_ =	swait.ge [sflag:s10], $0x1400  }
0x75: {  	[sflag:s10] =	ssyncset.done $0x0  }
0x76: {  	[sflag:s10] =	ssyncadd.s32 $0xFFFFEC00  }
0x77: {  	[tilespmem:s8], [sflag:$0x1] =	stream.indirect.gather [hbm4b:s15+s12], $0x80, s22, s12, $0xb8;
	[tilespmem:$0x1E800] =	vst v63  }
0x78: {  	_ = 	snop  }
0x79: {  	[tilespmem:s17], [sflag:$0x2] =	stream.indirect.gather [hbm4b:s15+s12], $0x80, s13, s12, $0xb8;
	[tilespmem:$0x1E800] =	vst v63  }
0x7a: {  	_ =	swait.ge [sflag:s9], $0x3E80  }
0x7b: {  	[sflag:s9] =	ssyncset.done $0x0  }
0x7c: {  	s24 =	simm.s32 $0x1400;
	[sflag:s9] =	ssyncadd.s32 $0xFFFFC180  }
0x7d: {  	[spmem:s16] =	stream.indirect.scatter.add.f32 [tilespmem:s8], [sflag:$0x3], $0x80, s24, s12, $0xb8;
	[tilespmem:$0x1E800] =	vst v63  }
0x7e: {  	_ =	swait.ge [sflag:s10], $0x3E80  }
0x7f: {  	[sflag:s10] =	ssyncset.done $0x0  }
0x80: {  	s23 =	simm.s32 $0x100;
	[sflag:s10] =	ssyncadd.s32 $0xFFFFC180  }
0x81: {  	[tilespmem:s8], [sflag:$0x1] =	stream.indirect.gather [hbm4b:s15+s12], $0x80, s23, s12, $0xb8;
	[tilespmem:$0x1E800] =	vst v63  }
0x82: {  	_ =	swait.ge [sflag:s18], $0x3E80  }
0x83: {  	[sflag:s18] =	ssyncset.done $0x0  }
0x84: {  	s24 =	simm.s32 $0x1480;
	[sflag:s18] =	ssyncadd.s32 $0xFFFFC180  }
0x85: {  	[spmem:s16] =	stream.indirect.scatter.add.f32 [tilespmem:s17], [sflag:$0x3], $0x80, s24, s12, $0xb8;
	[tilespmem:$0x1E800] =	vst v63  }
0x86: {  	_ =	swait.ge [sflag:s10], $0x3E80  }
0x87: {  	[sflag:s10] =	ssyncset.done $0x0  }
0x88: {  	s22 =	simm.s32 $0x400;
	s23 =	simm.s32 $0x180;
	[sflag:s10] =	ssyncadd.s32 $0xFFFFC180  }
.LBB2_4:
0x89: {  	[tilespmem:s17], [sflag:$0x2] =	stream.indirect.gather [hbm4b:s15+s12], $0x80, s23, s12, $0xb8;
	[tilespmem:$0x1E800] =	vst v63  }
0x8a: {  	s23 =	smov.u32 s22  }
0x8b: {  	p0 =	sne.s32 s22, $0x4800;
	s22 =	sadd.s32 $0x400, s22;
	_ =	swait.ge [sflag:s9], $0x3E80  }
0x8c: {  	s23 =	sshra.s32 s23, $0x2;
	[sflag:s9] =	ssyncset.done $0x0  }
0x8d: {  	s24 =	sadd.s32 $0x1400, s23;
	[sflag:s9] =	ssyncadd.s32 $0xFFFFC180  }
0x8e: {  	[spmem:s16] =	stream.indirect.scatter.add.f32 [tilespmem:s8], [sflag:$0x3], $0x80, s24, s12, $0xb8;
	[tilespmem:$0x1E800] =	vst v63  }
0x8f: {  	_ =	swait.ge [sflag:s10], $0x3E80  }
0x90: {  	[sflag:s10] =	ssyncset.done $0x0  }
0x91: {  	s24 =	sadd.s32 $0x100, s23;
	[sflag:s10] =	ssyncadd.s32 $0xFFFFC180  }
0x92: {  	[tilespmem:s8], [sflag:$0x1] =	stream.indirect.gather [hbm4b:s15+s12], $0x80, s24, s12, $0xb8;
	[tilespmem:$0x1E800] =	vst v63  }
0x93: {  	_ =	swait.ge [sflag:s18], $0x3E80  }
0x94: {  	[sflag:s18] =	ssyncset.done $0x0  }
.Ltmp1:
0x95: {  	s24 =	sadd.s32 $0x1480, s23;
	[sflag:s18] =	ssyncadd.s32 $0xFFFFC180;
	(pc) =	sbr.rel @p0 .LBB2_4-.Ltmp1, $4  }
0x96: {  	[spmem:s16] =	stream.indirect.scatter.add.f32 [tilespmem:s17], [sflag:$0x3], $0x80, s24, s12, $0xb8;
	[tilespmem:$0x1E800] =	vst v63  }
0x97: {  	_ =	swait.ge [sflag:s10], $0x3E80  }
0x98: {  	[sflag:s10] =	ssyncset.done $0x0  }
0x99: {  	s23 =	sadd.s32 $0x180, s23;
	[sflag:s10] =	ssyncadd.s32 $0xFFFFC180  }
0x9a: {  	[tilespmem:s17], [sflag:$0x2] =	stream.indirect.gather [hbm4b:s15+s12], $0x80, s23, s12, $0xb8;
	[tilespmem:$0x1E800] =	vst v63  }
0x9b: {  	_ =	swait.ge [sflag:s9], $0x3E80  }
0x9c: {  	[sflag:s9] =	ssyncset.done $0x0  }
0x9d: {  	[sflag:s9] =	ssyncadd.s32 $0xFFFFC180  }
0x9e: {  	[spmem:s16] =	stream.indirect.scatter.add.f32 [tilespmem:s8], [sflag:$0x3], $0x80, s20, s12, $0xb8;
	[tilespmem:$0x1E800] =	vst v63  }
0x9f: {  	_ =	swait.ge [sflag:s10], $0x3E80  }
0xa0: {  	[sflag:s10] =	ssyncset.done $0x0  }
0xa1: {  	[sflag:s10] =	ssyncadd.s32 $0xFFFFC180  }
0xa2: {  	_ =	swait.ge [sflag:s18], $0x3E80  }
0xa3: {  	[sflag:s18] =	ssyncset.done $0x0  }
0xa4: {  	[sflag:s18] =	ssyncadd.s32 $0xFFFFC180  }
0xa5: {  	[spmem:s16] =	stream.indirect.scatter.add.f32 [tilespmem:s17], [sflag:$0x3], $0x80, s21, s12, $0xb8;
	[tilespmem:$0x1E800] =	vst v63  }
0xa6: {  	_ =	swait.ge [sflag:s10], $0x3E80  }
0xa7: {  	[sflag:s10] =	ssyncset.done $0x0  }
0xa8: {  	s22 =	simm.s32 $0x0;
	s24 =	rddreg [dreg:$0x6];
	[sflag:s10] =	ssyncadd.s32 $0xFFFFC180  }
0xa9: {  	[tilespmem:s22], [sflag:$0x3] =	stream.linear.gather [hbm4b:s24+s22], $0x1400, $0x38;
	[tilespmem:$0x1E800] =	vst v63  }
0xaa: {  	_ =	swait.ge [sflag:s10], $0x1400  }
0xab: {  	[sflag:s10] =	ssyncset.done $0x0  }
0xac: {  	s24 =	rddreg [dreg:$0x7];
	[sflag:s10] =	ssyncadd.s32 $0xFFFFEC00  }
0xad: {  	[tilespmem:s11], [sflag:$0x3] =	stream.linear.gather [hbm4b:s24+s22], $0x1400, $0x38;
	[tilespmem:$0x1E800] =	vst v63  }
0xae: {  	_ =	swait.ge [sflag:s10], $0x1400  }
0xaf: {  	[sflag:s10] =	ssyncset.done $0x0  }
0xb0: {  	[sflag:s10] =	ssyncadd.s32 $0xFFFFEC00  }
0xb1: {  	[tilespmem:s8], [sflag:$0x1] =	stream.indirect.gather [hbm4b:s15+s12], $0x80, s22, s12, $0xb8;
	[tilespmem:$0x1E800] =	vst v63  }
0xb2: {  	_ = 	snop  }
0xb3: {  	[tilespmem:s17], [sflag:$0x2] =	stream.indirect.gather [hbm4b:s15+s12], $0x80, s13, s12, $0xb8;
	[tilespmem:$0x1E800] =	vst v63  }
0xb4: {  	_ =	swait.ge [sflag:s9], $0x3E80  }
0xb5: {  	[sflag:s9] =	ssyncset.done $0x0  }
0xb6: {  	s24 =	simm.s32 $0x1400;
	[sflag:s9] =	ssyncadd.s32 $0xFFFFC180  }
0xb7: {  	[spmem:s16] =	stream.indirect.scatter.add.f32 [tilespmem:s8], [sflag:$0x3], $0x80, s24, s12, $0xb8;
	[tilespmem:$0x1E800] =	vst v63  }
0xb8: {  	_ =	swait.ge [sflag:s10], $0x3E80  }
0xb9: {  	[sflag:s10] =	ssyncset.done $0x0  }
0xba: {  	s23 =	simm.s32 $0x100;
	[sflag:s10] =	ssyncadd.s32 $0xFFFFC180  }
0xbb: {  	[tilespmem:s8], [sflag:$0x1] =	stream.indirect.gather [hbm4b:s15+s12], $0x80, s23, s12, $0xb8;
	[tilespmem:$0x1E800] =	vst v63  }
0xbc: {  	_ =	swait.ge [sflag:s18], $0x3E80  }
0xbd: {  	[sflag:s18] =	ssyncset.done $0x0  }
0xbe: {  	s24 =	simm.s32 $0x1480;
	[sflag:s18] =	ssyncadd.s32 $0xFFFFC180  }
0xbf: {  	[spmem:s16] =	stream.indirect.scatter.add.f32 [tilespmem:s17], [sflag:$0x3], $0x80, s24, s12, $0xb8;
	[tilespmem:$0x1E800] =	vst v63  }
0xc0: {  	_ =	swait.ge [sflag:s10], $0x3E80  }
0xc1: {  	[sflag:s10] =	ssyncset.done $0x0  }
0xc2: {  	s22 =	simm.s32 $0x400;
	s23 =	simm.s32 $0x180;
	[sflag:s10] =	ssyncadd.s32 $0xFFFFC180  }
.LBB2_6:
0xc3: {  	[tilespmem:s17], [sflag:$0x2] =	stream.indirect.gather [hbm4b:s15+s12], $0x80, s23, s12, $0xb8;
	[tilespmem:$0x1E800] =	vst v63  }
0xc4: {  	s23 =	smov.u32 s22  }
0xc5: {  	p0 =	sne.s32 s22, $0x4800;
	s22 =	sadd.s32 $0x400, s22;
	_ =	swait.ge [sflag:s9], $0x3E80  }
0xc6: {  	s23 =	sshra.s32 s23, $0x2;
	[sflag:s9] =	ssyncset.done $0x0  }
0xc7: {  	s24 =	sadd.s32 $0x1400, s23;
	[sflag:s9] =	ssyncadd.s32 $0xFFFFC180  }
0xc8: {  	[spmem:s16] =	stream.indirect.scatter.add.f32 [tilespmem:s8], [sflag:$0x3], $0x80, s24, s12, $0xb8;
	[tilespmem:$0x1E800] =	vst v63  }
0xc9: {  	_ =	swait.ge [sflag:s10], $0x3E80  }
0xca: {  	[sflag:s10] =	ssyncset.done $0x0  }
0xcb: {  	s24 =	sadd.s32 $0x100, s23;
	[sflag:s10] =	ssyncadd.s32 $0xFFFFC180  }
0xcc: {  	[tilespmem:s8], [sflag:$0x1] =	stream.indirect.gather [hbm4b:s15+s12], $0x80, s24, s12, $0xb8;
	[tilespmem:$0x1E800] =	vst v63  }
0xcd: {  	_ =	swait.ge [sflag:s18], $0x3E80  }
0xce: {  	[sflag:s18] =	ssyncset.done $0x0  }
.Ltmp2:
0xcf: {  	s24 =	sadd.s32 $0x1480, s23;
	[sflag:s18] =	ssyncadd.s32 $0xFFFFC180;
	(pc) =	sbr.rel @p0 .LBB2_6-.Ltmp2, $4  }
0xd0: {  	[spmem:s16] =	stream.indirect.scatter.add.f32 [tilespmem:s17], [sflag:$0x3], $0x80, s24, s12, $0xb8;
	[tilespmem:$0x1E800] =	vst v63  }
0xd1: {  	_ =	swait.ge [sflag:s10], $0x3E80  }
0xd2: {  	[sflag:s10] =	ssyncset.done $0x0  }
0xd3: {  	s23 =	sadd.s32 $0x180, s23;
	[sflag:s10] =	ssyncadd.s32 $0xFFFFC180  }
0xd4: {  	[tilespmem:s17], [sflag:$0x2] =	stream.indirect.gather [hbm4b:s15+s12], $0x80, s23, s12, $0xb8;
	[tilespmem:$0x1E800] =	vst v63  }
0xd5: {  	_ =	swait.ge [sflag:s9], $0x3E80  }
0xd6: {  	[sflag:s9] =	ssyncset.done $0x0  }
0xd7: {  	[sflag:s9] =	ssyncadd.s32 $0xFFFFC180  }
0xd8: {  	[spmem:s16] =	stream.indirect.scatter.add.f32 [tilespmem:s8], [sflag:$0x3], $0x80, s20, s12, $0xb8;
	[tilespmem:$0x1E800] =	vst v63  }
0xd9: {  	_ =	swait.ge [sflag:s10], $0x3E80  }
0xda: {  	[sflag:s10] =	ssyncset.done $0x0  }
0xdb: {  	[sflag:s10] =	ssyncadd.s32 $0xFFFFC180  }
0xdc: {  	_ =	swait.ge [sflag:s18], $0x3E80  }
0xdd: {  	[sflag:s18] =	ssyncset.done $0x0  }
0xde: {  	[sflag:s18] =	ssyncadd.s32 $0xFFFFC180  }
0xdf: {  	[spmem:s16] =	stream.indirect.scatter.add.f32 [tilespmem:s17], [sflag:$0x3], $0x80, s21, s12, $0xb8;
	[tilespmem:$0x1E800] =	vst v63  }
0xe0: {  	_ =	swait.ge [sflag:s10], $0x3E80  }
0xe1: {  	[sflag:s10] =	ssyncset.done $0x0  }
0xe2: {  	s22 =	stileid.u32;
	[sflag:s10] =	ssyncadd.s32 $0xFFFFC180  }
0xe3: {  	s22 =	sshll.u32 s22, $0x6;
	[bflag:$0x0] =	sbarrier.arrive $0xFFFF  }
0xe4: {  	s23 =	sshrl.u32 s19, $0x3;
	s22 =	sor.u32 $0x1C01, s22;
	s24 =	rddreg [dreg:$0x8]  }
0xe5: {  	[hbm:s24], [sflag:s22] =	dma.local [spmem:s23], $0x400  }
0xe6: {  	s23 =	rddreg [dreg:$0x9]  }
0xe7: {  	s24 =	rddreg [dreg:$0x13]  }
0xe8: {  	[hbm:s23], [sflag:s22] =	dma.local [spmem:s24], $0x400  }
0xe9: {  	s23 =	rddreg [dreg:$0xa]  }
0xea: {  	s24 =	rddreg [dreg:$0x14]  }
0xeb: {  	[hbm:s23], [sflag:s22] =	dma.local [spmem:s24], $0x400  }
0xec: {  	s23 =	rddreg [dreg:$0xb]  }
0xed: {  	s24 =	rddreg [dreg:$0x15]  }
0xee: {  	[hbm:s23], [sflag:s22] =	dma.local [spmem:s24], $0x400  }
0xef: {  	s23 =	rddreg [dreg:$0xc]  }
0xf0: {  	s24 =	rddreg [dreg:$0x16]  }
0xf1: {  	[hbm:s23], [sflag:s22] =	dma.local [spmem:s24], $0x400  }
0xf2: {  	s23 =	rddreg [dreg:$0xd]  }
0xf3: {  	[hbm:s23], [sflag:s22] =	dma.local [spmem:s25], $0x400  }
0xf4: {  	s23 =	rddreg [dreg:$0xe]  }
0xf5: {  	[hbm:s23], [sflag:s22] =	dma.local [spmem:s26], $0x400  }
0xf6: {  	s23 =	rddreg [dreg:$0xf]  }
0xf7: {  	[hbm:s23], [sflag:s22] =	dma.local [spmem:s28], $0x400  }
0xf8: {  	s23 =	rddreg [dreg:$0x10]  }
0xf9: {  	[hbm:s23], [sflag:s22] =	dma.local [spmem:s29], $0x400  }
0xfa: {  	s23 =	rddreg [dreg:$0x11]  }
0xfb: {  	[hbm:s23], [sflag:s22] =	dma.local [spmem:s30], $0x400  }
0xfc: {  	_ =	swait.ge [sflag:s9], $0x400  }
0xfd: {  	[sflag:s9] =	ssyncset.done $0x0  }
0xfe: {  	[sflag:s9] =	ssyncadd.s32 $0xFFFFFC00  }
0xff: {  	_ =	swait.ge [sflag:s9], $0x400  }
0x100: {  	[sflag:s9] =	ssyncset.done $0x0  }
0x101: {  	[sflag:s9] =	ssyncadd.s32 $0xFFFFFC00  }
0x102: {  	_ =	swait.ge [sflag:s9], $0x400  }
0x103: {  	[sflag:s9] =	ssyncset.done $0x0  }
0x104: {  	[sflag:s9] =	ssyncadd.s32 $0xFFFFFC00  }
0x105: {  	_ =	swait.ge [sflag:s9], $0x400  }
0x106: {  	[sflag:s9] =	ssyncset.done $0x0  }
0x107: {  	[sflag:s9] =	ssyncadd.s32 $0xFFFFFC00  }
0x108: {  	_ =	swait.ge [sflag:s9], $0x400  }
0x109: {  	[sflag:s9] =	ssyncset.done $0x0  }
0x10a: {  	[sflag:s9] =	ssyncadd.s32 $0xFFFFFC00  }
0x10b: {  	_ =	swait.ge [sflag:s9], $0x400  }
0x10c: {  	[sflag:s9] =	ssyncset.done $0x0  }
0x10d: {  	[sflag:s9] =	ssyncadd.s32 $0xFFFFFC00  }
0x10e: {  	_ =	swait.ge [sflag:s9], $0x400  }
0x10f: {  	[sflag:s9] =	ssyncset.done $0x0  }
0x110: {  	[sflag:s9] =	ssyncadd.s32 $0xFFFFFC00  }
0x111: {  	_ =	swait.ge [sflag:s9], $0x400  }
0x112: {  	[sflag:s9] =	ssyncset.done $0x0  }
0x113: {  	[sflag:s9] =	ssyncadd.s32 $0xFFFFFC00  }
0x114: {  	_ =	swait.ge [sflag:s9], $0x400  }
0x115: {  	[sflag:s9] =	ssyncset.done $0x0  }
0x116: {  	[sflag:s9] =	ssyncadd.s32 $0xFFFFFC00  }
0x117: {  	_ =	swait.ge [sflag:s9], $0x400  }
0x118: {  	s1 =	sadd.s32 $0x1, s1;
	s24 =	rddreg [dreg:$0x12]  }
0x119: {  	p0 =	sne.s32 s1, s24  }
.Ltmp3:
0x11a: {  	_ = 	snop;
	(pc) =	sbr.rel @p0 .LBB2_1-.Ltmp3, $3  }
0x11b: {  	_ =	sdelay $0x1  }
0x11c: {  	[sflag:s9] =	ssyncset.done $0x0  }
0x11d: {  	[sflag:s9] =	ssyncadd.s32 $0xFFFFFC00  }
0x11e: {  	_ =	sfence.sel $0x180000  }
0x11f: {  	[bflag:$0x0] =	sbarrier.arrive $0xFFFF  }
0x120: {  	_ =	strace $0x9000004D  }
0x121: {  	s0 =	stileid.u32;
	[bflag:$0x2] =	sbarrier.arrive $0xFFFF  }
0x122: {  	p0 =	sne.s32 s0, $0x0;
	s0 =	rddreg [dreg:$0x3]  }
0x123: {  	s0 =	sadd.s32 @!p0 $0x100000, s0  }
0x124: {  	[sflag:s0] =	ssyncadd.tile.s32 @!p0 $0x1;
	_ =	shalt  }
.Lfunc_end2:
_tile_overlayer_lowered:
.L_overlay_start_2:
0x125: {  	(tag) =	ssettag $0x2  }
0x126: {  	s0 =	rddreg [dreg:$0x0];
	s2 =	stileid.u32  }
0x127: {  	s1 =	rddreg [dreg:$0x1];
	p0 =	sne.s32 s2, $0x0  }
0x128: {  	s3 =	rddreg [dreg:$0x2];
	[bflag:$0x3] =	sbarrier.arrive $0xFFFF;
	s2 =	simm.s32 @!p0 $0x1C03  }
0x129: {  	[timem:s3], [sflag:s2] =	dma.local @!p0 [hbm:s0], s1  }
0x12a: {  	s0 =	simm.s32 @!p0 $0x3  }
0x12b: {  	_ =	swait.ge @!p0 [sflag:s0], s1  }
0x12c: {  	s1 =	ssub.s32 @!p0 $0x0, s1;
	[sflag:s0] =	ssyncset.done @!p0 $0x0  }
0x12d: {  	[sflag:s0] =	ssyncadd.s32 @!p0 s1  }
0x12e: {  	[bflag:$0x3] =	sbarrier.arrive $0xFFFF  }
0x12f: {  	_ =	shalt  }

// kernel: kernel.7.cloned.1.call-start
scs
__scs_entry_jumppad:
0x0: {  	(pc) =	sbr.rel $0x88, $3  }
0x1: {  	(tag) =	ssettag $0x0;
	lr =	simm.s32 $0x1  }
0x2: {  	[smem:$0x3F92] =	sst lr;
	_ =	strace $0xD0000000  }
0x3: {  	_ = 	snop  }
0x4: {  	_ = 	snop  }
0x5: {  	_ = 	snop  }
0x6: {  	_ = 	snop  }
0x7: {  	_ = 	snop  }
__scs_overlays_trampoline_lowered:
0x8: {  	[smem:$0x3FA1] =	sst s0  }
0x9: {  	[smem:$0x3FA2] =	sst s1  }
0xa: {  	[smem:$0x3FA3] =	sst s2  }
0xb: {  	[smem:$0x3FA4] =	sst s3  }
0xc: {  	[smem:$0x3FA5] =	sst s4  }
0xd: {  	[smem:$0x3FA6] =	sst s5  }
0xe: {  	[smem:$0x3FA7] =	sst s6  }
0xf: {  	[smem:$0x3FA8] =	sst s7  }
0x10: {  	[smem:$0x3FA9] =	sst s8  }
0x11: {  	[smem:$0x3FAA] =	sst s9;
	s0 =	simm.s32 @!p0 $0x0  }
0x12: {  	s1 =	sld [smem:$0x3F90];
	s0 =	simm.s32 @p0 $0x1  }
0x13: {  	[smem:$0x3FAB] =	sst s0;
	s0 =	simm.s32 @!p1 $0x0  }
0x14: {  	s2 =	sld [smem:$0x3F8F];
	s0 =	simm.s32 @p1 $0x1  }
0x15: {  	[smem:$0x3FAC] =	sst s0;
	s0 =	simm.s32 @!p2 $0x0  }
0x16: {  	s3 =	sld [smem:$0x3FDB];
	s0 =	simm.s32 @p2 $0x1  }
0x17: {  	s4 =	simm.s32 $0x1BF5;
	[smem:$0x3FAE] =	sst s0  }
0x18: {  	s0 =	sld [smem:$0x3F91];
	_ =	swait.ge [sflag:s4], $0x0  }
0x19: {  	s7 =	sld [smem:$0x3F92]  }
0x1a: {  	s8 =	sadd.s32 $0xFFFFE003, lr  }
0x1b: {  	s9 =	sadd.s32 $0xFFFFFEF7, lr;
	s5 =	simm.s32 $0xFFFFFFFF;
	p2 =	slt.u32 s8, $0xFFFFF086  }
0x1c: {  	p1 =	slt.u32 s9, $0xF7A;
	s5 =	simm.s32 @!p2 $0x0  }
0x1d: {  	s5 =	simm.s32 @p1 $0x1;
	p0 =	seq.s32 s7, s2  }
0x1e: {  	s7 =	smul.u32 @!p0 $0xF7A, s2;
	p2 =	seq.s32 @!p0 s5, $0x0  }
0x1f: {  	s9 =	smul.u32 $0xF7A, s1;
	s8 =	simm.s32 @!p0 $0x1BF5;
	p2 =	por !p2, p0  }
0x20: {  	[sflag:s8] =	ssyncset.s32 @!p0 $0xFFFFF086;
	s6 =	sadd.s32 @!p0 s3, s7;
	s7 =	simm.s32 @!p0 $0x108  }
0x21: {  	s3 =	sadd.s32 s3, s9;
	s6 =	sadd.s32 @!p0 $0x88, s6;
	s7 =	simm.s32 @p2 $0x1082  }
0x22: {  	[simem:s7], [sflag:s8] =	dma.local @!p0 [hbm:s6], $0xF7A  }
0x23: {  	s9 =	sor.u32 $0xD0000000, s2;
	s6 =	simm.s32 $0x108;
	_ =	swait.ge @!p0 [sflag:s8], $0x0  }
0x24: {  	s3 =	sadd.s32 $0x88, s3;
	s6 =	simm.s32 @!p1 $0x1082;
	[sflag:s4] =	ssyncset.s32 $0xFFFFF086  }
0x25: {  	[simem:s6], [sflag:s4] =	dma.local [hbm:s3], $0xF7A  }
0x26: {  	[smem:$0x3F92] =	sst s1;
	(tag) =	ssettag s2;
	_ =	strace s9  }
0x27: {  	s1 =	sld [smem:$0x3FA2]  }
0x28: {  	s2 =	sld [smem:$0x3FA3]  }
0x29: {  	s4 =	sld [smem:$0x3FA5]  }
0x2a: {  	p0 =	seq.s32 s5, $0x0;
	s5 =	sld [smem:$0x3FA6]  }
0x2b: {  	s6 =	sld [smem:$0x3FA7]  }
0x2c: {  	s7 =	sld [smem:$0x3FA8]  }
0x2d: {  	s3 =	simm.s32 $0x108;
	s8 =	sld [smem:$0x3FA9]  }
0x2e: {  	s3 =	simm.s32 @!p0 $0x1082;
	s9 =	sld [smem:$0x3FAA]  }
0x2f: {  	lr =	sadd.s32 s0, s3;
	s0 =	sld [smem:$0x3FA1]  }
0x30: {  	s3 =	sld [smem:$0x3FA4]  }
0x31: {  	[smem:$0x3FAD] =	sst s10  }
0x32: {  	s10 =	sld [smem:$0x3FAB];
	_ =	sdelay $0x3  }
0x33: {  	p0 =	seq.s32 s10, $0x1;
	s10 =	sld [smem:$0x3FAD];
	_ =	sdelay $0x3  }
0x34: {  	[smem:$0x3FAD] =	sst s10  }
0x35: {  	s10 =	sld [smem:$0x3FAC];
	_ =	sdelay $0x3  }
0x36: {  	p1 =	seq.s32 s10, $0x1;
	s10 =	sld [smem:$0x3FAD];
	_ =	sdelay $0x3  }
0x37: {  	[smem:$0x3FAD] =	sst s10  }
0x38: {  	s10 =	sld [smem:$0x3FAE]  }
0x39: {  	_ = 	snop;
	(pc) =	sbr.ind lr, $3  }
0x3a: {  	_ = 	snop  }
0x3b: {  	_ = 	snop  }
0x3c: {  	p2 =	seq.s32 s10, $0x1;
	s10 =	sld [smem:$0x3FAD]  }
0x3d: {  	_ =	shalt  }
0x3e: {  	_ =	shalt  }
0x3f: {  	_ =	shalt  }
0x40: {  	_ =	shalt  }
0x41: {  	_ =	shalt  }
0x42: {  	_ =	shalt  }
0x43: {  	_ =	shalt  }
0x44: {  	_ =	shalt  }
0x45: {  	_ =	shalt  }
0x46: {  	_ =	shalt  }
0x47: {  	_ =	shalt  }
0x48: {  	_ =	shalt  }
0x49: {  	_ =	shalt  }
0x4a: {  	_ =	shalt  }
0x4b: {  	_ =	shalt  }
0x4c: {  	_ =	shalt  }
0x4d: {  	_ =	shalt  }
0x4e: {  	_ =	shalt  }
0x4f: {  	_ =	shalt  }
0x50: {  	_ =	shalt  }
0x51: {  	_ =	shalt  }
0x52: {  	_ =	shalt  }
0x53: {  	_ =	shalt  }
0x54: {  	_ =	shalt  }
0x55: {  	_ =	shalt  }
0x56: {  	_ =	shalt  }
0x57: {  	_ =	shalt  }
0x58: {  	_ =	shalt  }
0x59: {  	_ =	shalt  }
0x5a: {  	_ =	shalt  }
0x5b: {  	_ =	shalt  }
0x5c: {  	_ =	shalt  }
0x5d: {  	_ =	shalt  }
0x5e: {  	_ =	shalt  }
0x5f: {  	_ =	shalt  }
0x60: {  	_ =	shalt  }
0x61: {  	_ =	shalt  }
0x62: {  	_ =	shalt  }
0x63: {  	_ =	shalt  }
0x64: {  	_ =	shalt  }
0x65: {  	_ =	shalt  }
0x66: {  	_ =	shalt  }
0x67: {  	_ =	shalt  }
0x68: {  	_ =	shalt  }
0x69: {  	_ =	shalt  }
0x6a: {  	_ =	shalt  }
0x6b: {  	_ =	shalt  }
0x6c: {  	_ =	shalt  }
0x6d: {  	_ =	shalt  }
0x6e: {  	_ =	shalt  }
0x6f: {  	_ =	shalt  }
0x70: {  	_ =	shalt  }
0x71: {  	_ =	shalt  }
0x72: {  	_ =	shalt  }
0x73: {  	_ =	shalt  }
0x74: {  	_ =	shalt  }
0x75: {  	_ =	shalt  }
0x76: {  	_ =	shalt  }
0x77: {  	_ =	shalt  }
0x78: {  	_ =	shalt  }
0x79: {  	_ =	shalt  }
0x7a: {  	_ =	shalt  }
0x7b: {  	_ =	shalt  }
0x7c: {  	_ =	shalt  }
0x7d: {  	_ =	shalt  }
0x7e: {  	_ =	shalt  }
0x7f: {  	_ =	shalt  }
0x80: {  	_ =	shalt  }
0x81: {  	_ =	shalt  }
0x82: {  	_ =	shalt  }
0x83: {  	_ =	shalt  }
0x84: {  	_ =	shalt  }
0x85: {  	_ =	shalt  }
0x86: {  	_ =	shalt  }
0x87: {  	_ =	shalt  }
.Lfunc_end0:
.L_simem_size_0:
called_computation_lowered:
.L_overlay_start_0:
0x88: {  	s2 =	sld [smem:$0x3FD9]  }
0x89: {  	s3 =	sld [smem:$0x3FFE];
	_ =	sdelay $0x1  }
0x8a: {  	s1 =	srdreg.scid  }
0x8b: {  	s0 =	sand.u32 $0x1, s1  }
0x8c: {  	s16 =	sshll.u32 s0, $0xA;
	s2 =	sadd.s32 s3, s2  }
0x8d: {  	s2 =	sadd.s32 s2, s16  }
0x8e: {  	[smem:$0x3FB9] =	sst s2  }
0x8f: {  	_ = 	snop  }
0x90: {  	(tm) =	ssettm $0x1  }
0x91: {  	s17 =	sld [smem:$0x3FFB];
	_ =	sdelay $0x3  }
0x92: {  	_ =	strace s17  }
0x93: {  	s2 =	sld [smem:$0x3FFC];
	_ =	sdelay $0x3  }
0x94: {  	_ =	strace s2  }
0x95: {  	s2 =	sld [smem:$0x3FFD];
	_ =	sdelay $0x3  }
0x96: {  	_ =	strace s2  }
0x97: {  	_ =	strace $0x8FFFFFFF  }
0x98: {  	s18 =	sld [smem:$0x3FDB];
	_ =	sdelay $0x1  }
0x99: {  	s19 =	simm.s32 $_scs_section_size  }
0x9a: {  	s4 =	simm.s32 $_size__tile_overlayer_lowered;
	s5 =	simm.s32 $_tile_overlayer_lowered  }
0x9b: {  	s22 =	simm.s32 $0x1BFF;
	s21 =	sshll.u32 s5, $0x1;
	s2 =	sadd.s32 s19, s18  }
0x9c: {  	s6 =	simm.s32 $0x0;
	s20 =	sshll.u32 s4, $0x1;
	s4 =	sadd.s32 s21, s2  }
0x9d: {  	[timem:s6], [sflag:s22] =	dma.local [hbm:s4], s20  }
0x9e: {  	_ =	swait.ge [sflag:s22], s20  }
0x9f: {  	s3 =	ssub.s32 $0x0, s20;
	[sflag:s22] =	ssyncset.done $0x0  }
0xa0: {  	[sflag:s22] =	ssyncadd.s32 s3;
	_ =	sdelay $0x1  }
0xa1: {  	s23 =	simm.s32 $0x1B8B  }
0xa2: {  	_ =	swait.ge [sflag:s23], $0x1  }
0xa3: {  	[sflag:s23] =	ssyncset.done $0x0  }
0xa4: {  	s25 =	simm.s32 $0x1B8E;
	s24 =	sld [smem:$0x3FFE];
	[sflag:s23] =	ssyncadd.s32 $0xFFFFFFFF  }
0xa5: {  	s26 =	simm.s32 $execute0_lowered;
	[smem:$0x3FD2] =	sst s25  }
0xa6: {  	s4 =	sshll.u32 s26, $0x1;
	_ =	strace $0x80000046;
	[dreg:$0x1] =	wrdreg $0xFFFFFFFF  }
0xa7: {  	s28 =	simm.s32 $_size_execute0_lowered;
	s2 =	sadd.s32 s2, s4;
	[dreg:$0x0] =	wrdreg $0x0  }
0xa8: {  	s4 =	sshll.u32 s28, $0x1;
	[dreg:$0x2] =	wrdreg s2  }
0xa9: {  	[dreg:$0x3] =	wrdreg s4  }
0xaa: {  	[dreg:$0x4] =	wrdreg $0xC0  }
0xab: {  	_ =	task [dreg:s6], $0x5FFFF  }
0xac: {  	[dreg:$0x1] =	wrdreg $0xFFFFFFFF  }
0xad: {  	[dreg:$0x0] =	wrdreg $0x60  }
0xae: {  	[dreg:$0x2] =	wrdreg s24  }
0xaf: {  	[dreg:$0x3] =	wrdreg $0x68000  }
0xb0: {  	[dreg:$0x4] =	wrdreg $0x9  }
0xb1: {  	_ =	task.clear_ibuf [dreg:s6], $0x5FFFF;
	_ =	strace $0x90000046  }
0xb2: {  	s29 =	simm.s32 $0x9;
	_ =	strace $0x80000048  }
0xb3: {  	_ =	swait.ge [sflag:s29], $0x1  }
0xb4: {  	[sflag:s29] =	ssyncadd.s32 $0xFFFFFFFF  }
0xb5: {  	_ =	strace $0x90000048  }
0xb6: {  	_ =	sfence  }
0xb7: {  	s30 =	sld [smem:$0x0];
	_ =	sdelay $0x2  }
0xb8: {  	s31 =	sshll.u32 s1, $0xD;
	s1 =	sshrl.u32 s1, $0x2  }
0xb9: {  	s3 =	sand.u32 $0x4000, s31;
	s1 =	sadd.s32 s1, s30  }
0xba: {  	s0 =	sor.u32 s3, s0;
	s1 =	sshll.u32 s1, $0x11  }
0xbb: {  	s0 =	sor.u32 s1, s0  }
0xbc: {  	s0 =	sadd.s32 $0x8F2B, s0  }
0xbd: {  	[sflag:s0] =	ssyncadd.remote.s32 $0x1  }
0xbe: {  	_ =	sfence.sel $0xFFFF  }
0xbf: {  	[dreg:$0x0] =	wrdreg $0xFFFFFFFF;
	(pc) =	sbr.abs _section_cstart, $3  }
0xc0: {  	[dreg:$0x1] =	wrdreg $0xFFFFFFFF  }
0xc1: {  	_ =	task.clear_ibuf [dreg:s6], $0x2FFFF;
	_ =	strace $0x9FFFFFFF  }
0xc2: {  	(tm) =	ssettm $0x7FFFFFFF  }
0xc3: {  	_ =	shalt  }
tec
execute0_lowered:
.L_overlay_start_1:
0x0: {  	(tag) =	ssettag $0x1  }
0x1: {  	s8 =	stileid.u32  }
0x2: {  	s5 =	smul.u32 $0x2800, s8  }
0x3: {  	s0 =	srdreg.scid;
	s6 =	smul.u32 $0x14000, s8  }
0x4: {  	s4 =	rddreg [dreg:$0x0];
	s0 =	sand.u32 $0x1, s0;
	s8 =	smul.u32 $0x50000, s8  }
0x5: {  	s1 =	rddreg [dreg:$0x1];
	s2 =	simm.s32 $0x0;
	s3 =	smul.u32 $0x28000, s0  }
0x6: {  	[smem:$0x7FF] =	sst s2;
	s13 =	smul.u32 $0x140000, s0;
	s0 =	ssub.s32 $0x2, s0  }
0x7: {  	s7 =	sshrl.u32 s0, $0x1;
	s8 =	sshrl.u32 s8, $0x2;
	s9 =	sor.u32 $0x2000, s6  }
0x8: {  	s10 =	sadd.s32 $0x4000, s6;
	s17 =	sadd.s32 $0x6000, s6;
	s3 =	sadd.s32 s5, s3  }
0x9: {  	s0 =	ssub.s32 s0, s7;
	s14 =	sadd.s32 s13, s6;
	s15 =	sadd.s32 s13, s9  }
0xa: {  	s11 =	sadd.s32 s13, s10;
	s18 =	sadd.s32 s13, s17;
	s9 =	sadd.s32 s9, s1  }
0xb: {  	s10 =	sadd.s32 s10, s1;
	s3 =	sshrl.u32 s3, $0x3;
	s7 =	sshrl.u32 s14, $0x3  }
0xc: {  	s16 =	sshrl.u32 s11, $0x3;
	s19 =	sshrl.u32 s18, $0x3;
	s11 =	sadd.s32 $0x8000, s6  }
0xd: {  	s18 =	sadd.s32 $0xA000, s6;
	s14 =	sadd.s32 s8, s1;
	s8 =	simm.s32 $0x7D  }
0xe: {  	s3 =	sadd.s32 s3, s4;
	s4 =	sadd.s32 $0xDC00, s4;
	s20 =	sadd.s32 s13, s11  }
0xf: {  	s12 =	sadd.s32 s13, s18;
	s28 =	sadd.s32 $0x4000, s14;
	s29 =	sadd.s32 $0x6000, s14  }
0x10: {  	s30 =	sadd.s32 $0x8000, s14;
	s31 =	sadd.s32 $0xA000, s14;
	s7 =	sadd.s32 s4, s7  }
0x11: {  	s21 =	sshrl.u32 s12, $0x3;
	[dreg:$0x3] =	wrdreg s7;
	s7 =	sshrl.u32 s15, $0x3  }
0x12: {  	s12 =	sadd.s32 s17, s1;
	s17 =	sshrl.u32 s9, $0x3;
	s7 =	sadd.s32 s4, s7  }
0x13: {  	s15 =	sadd.s32 $0x3C00, s3;
	s3 =	sadd.s32 $0x10000, s14;
	[dreg:$0x4] =	wrdreg s7  }
0x14: {  	s7 =	sadd.s32 s4, s16;
	s16 =	smax.u32 s0, $0x1;
	s0 =	sadd.s32 $0xE000, s14  }
0x15: {  	[dreg:$0x5] =	wrdreg s7;
	s7 =	sadd.s32 s4, s19;
	s19 =	sadd.s32 $0xC000, s6  }
0x16: {  	[dreg:$0x6] =	wrdreg s7;
	s7 =	sshrl.u32 s20, $0x3;
	s22 =	sadd.s32 s13, s19  }
0x17: {  	s20 =	sadd.s32 $0xE000, s6;
	s7 =	sadd.s32 s4, s7;
	s23 =	sshrl.u32 s22, $0x3  }
0x18: {  	s24 =	sadd.s32 s13, s20;
	s22 =	sadd.s32 s11, s1;
	[dreg:$0x7] =	wrdreg s7  }
0x19: {  	s7 =	sadd.s32 s4, s21;
	s21 =	sadd.s32 $0x10000, s6;
	s6 =	sadd.s32 $0x12000, s6  }
0x1a: {  	[dreg:$0x8] =	wrdreg s7;
	s7 =	sadd.s32 s4, s23;
	s25 =	sadd.s32 s13, s21  }
0x1b: {  	s5 =	sadd.s32 s13, s6;
	s23 =	sadd.s32 s18, s1;
	s6 =	sadd.s32 s6, s1  }
0x1c: {  	s18 =	sshrl.u32 s10, $0x3;
	s10 =	sadd.s32 $0xC000, s14;
	[dreg:$0x9] =	wrdreg s7  }
0x1d: {  	s7 =	sshrl.u32 s24, $0x3;
	s26 =	sshrl.u32 s25, $0x3;
	s5 =	sshrl.u32 s5, $0x3  }
0x1e: {  	s24 =	sadd.s32 s19, s1;
	s25 =	sadd.s32 s20, s1;
	s19 =	sshrl.u32 s12, $0x3  }
0x1f: {  	s20 =	sshrl.u32 s22, $0x3;
	s7 =	sadd.s32 s4, s7;
	s13 =	sadd.s32 s4, s5  }
0x20: {  	s22 =	sshrl.u32 s24, $0x3;
	s5 =	simm.s32 $0x2800;
	[dreg:$0xa] =	wrdreg s7  }
0x21: {  	s7 =	sadd.s32 s4, s26;
	s26 =	sadd.s32 s21, s1;
	s21 =	sshrl.u32 s23, $0x3  }
0x22: {  	s23 =	sshrl.u32 s25, $0x3;
	s25 =	sshrl.u32 s6, $0x3;
	s4 =	sadd.s32 $0x12000, s14  }
0x23: {  	s6 =	simm.s32 $0x1;
	[dreg:$0xb] =	wrdreg s7;
	s24 =	sshrl.u32 s26, $0x3  }
0x24: {  	v0 =	vimm.f32 $0.0e+00;
	v1 =	vimm.f32 $1.000000000e+00;
	s26 =	sadd.s32 $0x2000, s14;
	s7 =	simm.s32 $0x2;
	_ =	strace $0x80000047  }
.LBB2_1:
0x25: {  	s9 =	simm.s32 $0x0;
	s11 =	simm.s32 $0x200  }
.LBB2_2:
0x26: {  	p0 =	sne.s32 s11, $0x7E00;
	[tilespmem:s9+$0x2870] =	vst v0  }
0x27: {  	[tilespmem:s9+$0x2800] =	vst v0  }
0x28: {  	[tilespmem:s9+$0x2810] =	vst v0  }
.Ltmp0:
0x29: {  	[tilespmem:s9+$0x2820] =	vst v0;
	(pc) =	sbr.rel @p0 .LBB2_2-.Ltmp0, $4  }
0x2a: {  	[tilespmem:s9+$0x2830] =	vst v0  }
0x2b: {  	[tilespmem:s9+$0x2840] =	vst v0  }
0x2c: {  	[tilespmem:s9+$0x2850] =	vst v0  }
0x2d: {  	[tilespmem:s9+$0x2860] =	vst v0;
	s9 =	sshra.s32 s11, $0x2;
	s11 =	sadd.s32 $0x200, s11  }
0x2e: {  	[tilespmem:s9+$0x2870] =	vst v0  }
0x2f: {  	[tilespmem:s9+$0x2800] =	vst v0  }
0x30: {  	[tilespmem:s9+$0x2810] =	vst v0  }
0x31: {  	[tilespmem:s9+$0x2820] =	vst v0  }
0x32: {  	[tilespmem:s9+$0x2830] =	vst v0  }
0x33: {  	[tilespmem:s9+$0x2840] =	vst v0  }
0x34: {  	[tilespmem:s9+$0x2850] =	vst v0  }
0x35: {  	[tilespmem:s9+$0x2860] =	vst v0  }
0x36: {  	[spmem:s14] =	stream.linear.scatter [tilespmem:s5], [sflag:$0x1], $0x2000, $0x38;
	[tilespmem:$0x1A800] =	vst v63  }
0x37: {  	_ = 	snop  }
0x38: {  	[spmem:s26] =	stream.linear.scatter [tilespmem:s5], [sflag:$0x1], $0x2000, $0x38;
	[tilespmem:$0x1A800] =	vst v63  }
0x39: {  	_ = 	snop  }
0x3a: {  	[spmem:s28] =	stream.linear.scatter [tilespmem:s5], [sflag:$0x1], $0x2000, $0x38;
	[tilespmem:$0x1A800] =	vst v63  }
0x3b: {  	_ = 	snop  }
0x3c: {  	[spmem:s29] =	stream.linear.scatter [tilespmem:s5], [sflag:$0x1], $0x2000, $0x38;
	[tilespmem:$0x1A800] =	vst v63  }
0x3d: {  	_ = 	snop  }
0x3e: {  	[spmem:s30] =	stream.linear.scatter [tilespmem:s5], [sflag:$0x1], $0x2000, $0x38;
	[tilespmem:$0x1A800] =	vst v63  }
0x3f: {  	_ = 	snop  }
0x40: {  	[spmem:s31] =	stream.linear.scatter [tilespmem:s5], [sflag:$0x1], $0x2000, $0x38;
	[tilespmem:$0x1A800] =	vst v63  }
0x41: {  	_ = 	snop  }
0x42: {  	[spmem:s10] =	stream.linear.scatter [tilespmem:s5], [sflag:$0x1], $0x2000, $0x38;
	[tilespmem:$0x1A800] =	vst v63  }
0x43: {  	_ = 	snop  }
0x44: {  	[spmem:s0] =	stream.linear.scatter [tilespmem:s5], [sflag:$0x1], $0x2000, $0x38;
	[tilespmem:$0x1A800] =	vst v63  }
0x45: {  	_ = 	snop  }
0x46: {  	[spmem:s3] =	stream.linear.scatter [tilespmem:s5], [sflag:$0x1], $0x2000, $0x38;
	[tilespmem:$0x1A800] =	vst v63  }
0x47: {  	_ = 	snop  }
0x48: {  	[spmem:s4] =	stream.linear.scatter [tilespmem:s5], [sflag:$0x1], $0x2000, $0x38;
	[tilespmem:$0x1A800] =	vst v63  }
0x49: {  	_ =	swait.ge [sflag:s6], $0x2000  }
0x4a: {  	[sflag:s6] =	ssyncset.done $0x0  }
0x4b: {  	[sflag:s6] =	ssyncadd.s32 $0xFFFFE000  }
0x4c: {  	_ =	swait.ge [sflag:s6], $0x2000  }
0x4d: {  	[sflag:s6] =	ssyncset.done $0x0  }
0x4e: {  	[sflag:s6] =	ssyncadd.s32 $0xFFFFE000  }
0x4f: {  	_ =	swait.ge [sflag:s6], $0x2000  }
0x50: {  	[sflag:s6] =	ssyncset.done $0x0  }
0x51: {  	[sflag:s6] =	ssyncadd.s32 $0xFFFFE000  }
0x52: {  	_ =	swait.ge [sflag:s6], $0x2000  }
0x53: {  	[sflag:s6] =	ssyncset.done $0x0  }
0x54: {  	[sflag:s6] =	ssyncadd.s32 $0xFFFFE000  }
0x55: {  	_ =	swait.ge [sflag:s6], $0x2000  }
0x56: {  	[sflag:s6] =	ssyncset.done $0x0  }
0x57: {  	[sflag:s6] =	ssyncadd.s32 $0xFFFFE000  }
0x58: {  	_ =	swait.ge [sflag:s6], $0x2000  }
0x59: {  	[sflag:s6] =	ssyncset.done $0x0  }
0x5a: {  	[sflag:s6] =	ssyncadd.s32 $0xFFFFE000  }
0x5b: {  	_ =	swait.ge [sflag:s6], $0x2000  }
0x5c: {  	[sflag:s6] =	ssyncset.done $0x0  }
0x5d: {  	[sflag:s6] =	ssyncadd.s32 $0xFFFFE000  }
0x5e: {  	_ =	swait.ge [sflag:s6], $0x2000  }
0x5f: {  	[sflag:s6] =	ssyncset.done $0x0  }
0x60: {  	[sflag:s6] =	ssyncadd.s32 $0xFFFFE000  }
0x61: {  	_ =	swait.ge [sflag:s6], $0x2000  }
0x62: {  	[sflag:s6] =	ssyncset.done $0x0  }
0x63: {  	[sflag:s6] =	ssyncadd.s32 $0xFFFFE000  }
0x64: {  	_ =	swait.ge [sflag:s6], $0x2000  }
0x65: {  	[sflag:s6] =	ssyncset.done $0x0  }
0x66: {  	[sflag:s6] =	ssyncadd.s32 $0xFFFFE000  }
0x67: {  	s9 =	simm.s32 $0x70;
	s11 =	simm.s32 $0x3C0;
	[bflag:$0x0] =	sbarrier.arrive $0xFFFF  }
.LBB2_4:
0x68: {  	p0 =	sne.s32 s11, $0xF9C0;
	[tilespmem:s9+$0x2800] =	vst v1  }
0x69: {  	[tilespmem:s9+$0x2790] =	vst v1  }
0x6a: {  	[tilespmem:s9+$0x27A0] =	vst v1  }
.Ltmp1:
0x6b: {  	[tilespmem:s9+$0x27B0] =	vst v1;
	(pc) =	sbr.rel @p0 .LBB2_4-.Ltmp1, $4  }
0x6c: {  	[tilespmem:s9+$0x27C0] =	vst v1  }
0x6d: {  	[tilespmem:s9+$0x27D0] =	vst v1  }
0x6e: {  	[tilespmem:s9+$0x27E0] =	vst v1  }
0x6f: {  	[tilespmem:s9+$0x27F0] =	vst v1;
	s9 =	sshra.s32 s11, $0x2;
	s11 =	sadd.s32 $0x200, s11  }
0x70: {  	[tilespmem:s9+$0x2800] =	vst v1  }
0x71: {  	[tilespmem:s9+$0x2790] =	vst v1  }
0x72: {  	[tilespmem:s9+$0x27A0] =	vst v1  }
0x73: {  	[tilespmem:s9+$0x27B0] =	vst v1  }
0x74: {  	[tilespmem:s9+$0x27C0] =	vst v1  }
0x75: {  	[tilespmem:s9+$0x27D0] =	vst v1  }
0x76: {  	[tilespmem:s9+$0x27E0] =	vst v1  }
0x77: {  	[tilespmem:s9+$0x27F0] =	vst v1;
	s9 =	simm.s32 $0x0  }
0x78: {  	[tilespmem:s9], [sflag:$0x2] =	stream.linear.gather [hbm4b:s15+s9], $0x2800, $0x38;
	[tilespmem:$0x1A800] =	vst v63  }
0x79: {  	_ =	swait.ge [sflag:s7], $0x2800  }
0x7a: {  	[sflag:s7] =	ssyncset.done $0x0  }
0x7b: {  	[sflag:s7] =	ssyncadd.s32 $0xFFFFD800  }
.LBB2_6:
0x7c: {  	p0 =	sne.s32 s9, $0x9E00  }
.Ltmp2:
0x7d: {  	_ = 	snop;
	(pc) =	sbr.rel @p0 .LBB2_6-.Ltmp2, $3  }
0x7e: {  	_ =	sdelay $0x1  }
0x7f: {  	s11 =	sshra.s32 s9, $0x2;
	s9 =	sadd.s32 $0x200, s9  }
0x80: {  	[spmem:s1] =	stream.indirect.scatter.add.f32 [tilespmem:s5], [sflag:$0x1], $0x80, s11, s8, $0xb8;
	[tilespmem:$0x1A800] =	vst v63  }
0x81: {  	_ =	swait.ge [sflag:s6], $0x3E80  }
0x82: {  	s9 =	simm.s32 $0x4F;
	[sflag:s6] =	ssyncset.done $0x0  }
.LBB2_8:
0x83: {  	p0 =	sne.s32 s9, $0x1;
	s9 =	sadd.s32 $0xFFFFFFFF, s9;
	[sflag:s6] =	ssyncadd.s32 $0xFFFFC180  }
.Ltmp3:
0x84: {  	(pc) =	sbr.rel @p0 .LBB2_8-.Ltmp3, $3  }
0x85: {  	_ =	sdelay $0x1  }
0x86: {  	_ =	swait.ge [sflag:s6], $0x3E80  }
0x87: {  	[sflag:s6] =	ssyncset.done $0x0  }
0x88: {  	[sflag:s6] =	ssyncadd.s32 $0xFFFFC180;
	s9 =	stileid.u32  }
0x89: {  	s9 =	sshll.u32 s9, $0x6;
	[bflag:$0x0] =	sbarrier.arrive $0xFFFF  }
0x8a: {  	s11 =	sshrl.u32 s14, $0x3;
	s9 =	sor.u32 $0x1C01, s9;
	s12 =	rddreg [dreg:$0x3]  }
0x8b: {  	[hbm:s12], [sflag:s9] =	dma.local [spmem:s11], $0x400  }
0x8c: {  	s11 =	rddreg [dreg:$0x4]  }
0x8d: {  	[hbm:s11], [sflag:s9] =	dma.local [spmem:s17], $0x400  }
0x8e: {  	s11 =	rddreg [dreg:$0x5]  }
0x8f: {  	[hbm:s11], [sflag:s9] =	dma.local [spmem:s18], $0x400  }
0x90: {  	s11 =	rddreg [dreg:$0x6]  }
0x91: {  	[hbm:s11], [sflag:s9] =	dma.local [spmem:s19], $0x400  }
0x92: {  	s11 =	rddreg [dreg:$0x7]  }
0x93: {  	[hbm:s11], [sflag:s9] =	dma.local [spmem:s20], $0x400  }
0x94: {  	s11 =	rddreg [dreg:$0x8]  }
0x95: {  	[hbm:s11], [sflag:s9] =	dma.local [spmem:s21], $0x400  }
0x96: {  	s11 =	rddreg [dreg:$0x9]  }
0x97: {  	[hbm:s11], [sflag:s9] =	dma.local [spmem:s22], $0x400  }
0x98: {  	s11 =	rddreg [dreg:$0xa]  }
0x99: {  	[hbm:s11], [sflag:s9] =	dma.local [spmem:s23], $0x400  }
0x9a: {  	s11 =	rddreg [dreg:$0xb]  }
0x9b: {  	[hbm:s11], [sflag:s9] =	dma.local [spmem:s24], $0x400  }
0x9c: {  	[hbm:s13], [sflag:s9] =	dma.local [spmem:s25], $0x400  }
0x9d: {  	_ =	swait.ge [sflag:s6], $0x400  }
0x9e: {  	[sflag:s6] =	ssyncset.done $0x0  }
0x9f: {  	[sflag:s6] =	ssyncadd.s32 $0xFFFFFC00  }
0xa0: {  	_ =	swait.ge [sflag:s6], $0x400  }
0xa1: {  	[sflag:s6] =	ssyncset.done $0x0  }
0xa2: {  	[sflag:s6] =	ssyncadd.s32 $0xFFFFFC00  }
0xa3: {  	_ =	swait.ge [sflag:s6], $0x400  }
0xa4: {  	[sflag:s6] =	ssyncset.done $0x0  }
0xa5: {  	[sflag:s6] =	ssyncadd.s32 $0xFFFFFC00  }
0xa6: {  	_ =	swait.ge [sflag:s6], $0x400  }
0xa7: {  	[sflag:s6] =	ssyncset.done $0x0  }
0xa8: {  	[sflag:s6] =	ssyncadd.s32 $0xFFFFFC00  }
0xa9: {  	_ =	swait.ge [sflag:s6], $0x400  }
0xaa: {  	[sflag:s6] =	ssyncset.done $0x0  }
0xab: {  	[sflag:s6] =	ssyncadd.s32 $0xFFFFFC00  }
0xac: {  	_ =	swait.ge [sflag:s6], $0x400  }
0xad: {  	[sflag:s6] =	ssyncset.done $0x0  }
0xae: {  	[sflag:s6] =	ssyncadd.s32 $0xFFFFFC00  }
0xaf: {  	_ =	swait.ge [sflag:s6], $0x400  }
0xb0: {  	[sflag:s6] =	ssyncset.done $0x0  }
0xb1: {  	[sflag:s6] =	ssyncadd.s32 $0xFFFFFC00  }
0xb2: {  	_ =	swait.ge [sflag:s6], $0x400  }
0xb3: {  	[sflag:s6] =	ssyncset.done $0x0  }
0xb4: {  	s2 =	sadd.s32 $0x1, s2;
	[sflag:s6] =	ssyncadd.s32 $0xFFFFFC00  }
0xb5: {  	p0 =	sne.s32 s2, s16;
	_ =	swait.ge [sflag:s6], $0x400  }
.Ltmp4:
0xb6: {  	[sflag:s6] =	ssyncset.done $0x0;
	(pc) =	sbr.rel @p0 .LBB2_1-.Ltmp4, $4  }
0xb7: {  	[sflag:s6] =	ssyncadd.s32 $0xFFFFFC00  }
0xb8: {  	_ =	swait.ge [sflag:s6], $0x400  }
0xb9: {  	[sflag:s6] =	ssyncset.done $0x0  }
0xba: {  	[sflag:s6] =	ssyncadd.s32 $0xFFFFFC00  }
0xbb: {  	_ =	sfence.sel $0x180000  }
0xbc: {  	[bflag:$0x0] =	sbarrier.arrive $0xFFFF  }
0xbd: {  	_ =	strace $0x90000047  }
0xbe: {  	s0 =	stileid.u32;
	[bflag:$0x2] =	sbarrier.arrive $0xFFFF  }
0xbf: {  	p0 =	sne.s32 s0, $0x0;
	s0 =	rddreg [dreg:$0x2]  }
0xc0: {  	s0 =	sadd.s32 @!p0 $0x100000, s0  }
0xc1: {  	[sflag:s0] =	ssyncadd.tile.s32 @!p0 $0x1;
	_ =	shalt  }
.Lfunc_end2:
_tile_overlayer_lowered:
.L_overlay_start_2:
0xc2: {  	(tag) =	ssettag $0x2  }
0xc3: {  	s0 =	rddreg [dreg:$0x0];
	s2 =	stileid.u32  }
0xc4: {  	s1 =	rddreg [dreg:$0x1];
	p0 =	sne.s32 s2, $0x0  }
0xc5: {  	s3 =	rddreg [dreg:$0x2];
	[bflag:$0x3] =	sbarrier.arrive $0xFFFF;
	s2 =	simm.s32 @!p0 $0x1C02  }
0xc6: {  	[timem:s3], [sflag:s2] =	dma.local @!p0 [hbm:s0], s1  }
0xc7: {  	s0 =	simm.s32 @!p0 $0x2  }
0xc8: {  	_ =	swait.ge @!p0 [sflag:s0], s1  }
0xc9: {  	s1 =	ssub.s32 @!p0 $0x0, s1;
	[sflag:s0] =	ssyncset.done @!p0 $0x0  }
0xca: {  	[sflag:s0] =	ssyncadd.s32 @!p0 s1  }
0xcb: {  	[bflag:$0x3] =	sbarrier.arrive $0xFFFF  }
0xcc: {  	_ =	shalt  }

</sc_bundles>
